<compile_context>
chip_gen: v7x
topology: tpu7x:2x2x1
jax: 0.10.2.dev20260603
libtpu: 0.0.44.dev20260713+nightly
codegen_flags: <defaults>
</compile_context>

<pallas_src>
import functools

import jax
import jax.numpy as jnp
from jax import lax
from jax.experimental import pallas as pl
from jax.experimental.pallas import tpu as pltpu
from jax.experimental.pallas import tpu_sc as plsc

EMBED = 64
BATCH = 16384
NROWS = 1000000
L = 16
NC, NS = 2, 16
FPC = EMBED // NC
BPT = BATCH // NS
CHUNK = 128
NCHUNK = BPT // CHUNK


def _make_sc_kernel():
  mesh = plsc.VectorSubcoreMesh(core_axis_name="c", subcore_axis_name="s")

  @functools.partial(
      pl.kernel,
      mesh=mesh,
      out_type=jax.ShapeDtypeStruct((NC, BATCH), jnp.float32),
      compiler_params=pltpu.CompilerParams(
          needs_layout_passes=False, use_tc_tiling_on_sc=True),
      scratch_types=[
          pltpu.VMEM((NCHUNK, CHUNK), jnp.int32),
          pltpu.VMEM((NCHUNK, CHUNK), jnp.int32),
          pltpu.VMEM_SHARED((NROWS,), jnp.float32),
          pltpu.VMEM_SHARED((NROWS,), jnp.float32),
          pltpu.VMEM((BPT,), jnp.float32),
          pltpu.VMEM((BPT,), jnp.float32),
          pltpu.VMEM((BPT,), jnp.float32),
          pltpu.SemaphoreType.DMA,
          pltpu.SemaphoreType.DMA,
          pltpu.SemaphoreType.DMA,
      ],
  )
  def sc_kernel(uidx_hbm, iidx_hbm, utp_hbm, itp_hbm, out_hbm,
                uidx_v, iidx_v, sa_sh, sb_sh, uval_v, ival_v, acc_v,
                sem_su, sem_si, sem_g):
    cid = lax.axis_index("c")
    sid = lax.axis_index("s")

    pltpu.sync_copy(uidx_hbm.at[pl.ds(sid * NCHUNK, NCHUNK)], uidx_v)
    pltpu.sync_copy(iidx_hbm.at[pl.ds(sid * NCHUNK, NCHUNK)], iidx_v)

    def zero_body(s, carry):
      acc_v[pl.ds(s * L, L)] = jnp.zeros((L,), jnp.float32)
      return carry

    lax.fori_loop(0, BPT // L, zero_body, 0)

    def fire_row(tab_hbm, buf_sh, c, sem):
      @pl.when(sid == 0)
      def _fire():
        pltpu.async_copy(tab_hbm.at[c], buf_sh, sem)

    def drain_row(tab_hbm, buf_sh, c, sem):
      @pl.when(sid == 0)
      def _drain():
        pltpu.make_async_copy(tab_hbm.at[c], buf_sh, sem).wait()

    def gather_vals(buf_sh, idx_v, val_v):
      copies = []
      for q in range(NCHUNK):
        copies.append(pltpu.async_copy(
            buf_sh.at[idx_v.at[q]], val_v.at[pl.ds(q * CHUNK, CHUNK)],
            sem_g))
      for cp in copies:
        cp.wait()

    fire_row(utp_hbm, sa_sh, cid * FPC, sem_su)
    fire_row(itp_hbm, sb_sh, cid * FPC, sem_si)

    def feature_body(k, carry):
      c = cid * FPC + k
      drain_row(utp_hbm, sa_sh, c, sem_su)
      plsc.subcore_barrier()
      gather_vals(sa_sh, uidx_v, uval_v)
      plsc.subcore_barrier()

      @pl.when(k + 1 < FPC)
      def _prefetch_u():
        fire_row(utp_hbm, sa_sh, c + 1, sem_su)

      drain_row(itp_hbm, sb_sh, c, sem_si)
      plsc.subcore_barrier()
      gather_vals(sb_sh, iidx_v, ival_v)
      plsc.subcore_barrier()

      @pl.when(k + 1 < FPC)
      def _prefetch_i():
        fire_row(itp_hbm, sb_sh, c + 1, sem_si)

      def mac_body(s, carry):
        sl = pl.ds(s * L, L)
        acc_v[sl] = acc_v[sl] + uval_v[sl] * ival_v[sl]
        return carry

      lax.fori_loop(0, BPT // L, mac_body, 0)
      return carry

    lax.fori_loop(0, FPC, feature_body, 0)
    pltpu.sync_copy(acc_v, out_hbm.at[cid, pl.ds(sid * BPT, BPT)])

  return sc_kernel


_SC_KERNEL = _make_sc_kernel()


def _add_halves(x_ref, o_ref):
  o_ref[...] = x_ref[0, :] + x_ref[1, :]


def _combine(partials):
  return pl.pallas_call(
      _add_halves,
      out_shape=jax.ShapeDtypeStruct((BATCH,), jnp.float32),
  )(partials)


def kernel(user_indices, item_indices, user_table, item_table):
  uidx = user_indices.astype(jnp.int32).reshape(BATCH // CHUNK, CHUNK)
  iidx = item_indices.astype(jnp.int32).reshape(BATCH // CHUNK, CHUNK)
  partials = _SC_KERNEL(uidx, iidx, user_table.T, item_table.T)
  return _combine(partials)

# --- scband reference (transcript-rebuilt; emitter-appended) ---
"""Pipeline reference for scband-rating-prediction-model-48266842472830 (READ-ONLY COPY).

The authoritative reference and input builder live on the scoring server;
editing this copy changes nothing except your own understanding.
"""

import jax, jax.numpy as jnp
import numpy as np

NUM_USERS = 1000000
NUM_ITEMS = 1000000
EMBED_DIM = 64
BATCH = 16384

def setup_inputs(seed: int = 0) -> dict:
    key = jax.random.key(seed)
    k1, k2, k3, k4 = jax.random.split(key, 4)
    user_indices = jax.random.randint(k1, (BATCH,), 0, NUM_USERS, dtype=jnp.int64 if jax.config.jax_enable_x64 else jnp.int32)
    item_indices = jax.random.randint(k2, (BATCH,), 0, NUM_ITEMS, dtype=jnp.int64 if jax.config.jax_enable_x64 else jnp.int32)
    user_table = jax.random.normal(k3, (NUM_USERS, EMBED_DIM), dtype=jnp.float32) * 0.02
    item_table = jax.random.normal(k4, (NUM_ITEMS, EMBED_DIM), dtype=jnp.float32) * 0.02
    return {"user_indices": user_indices, "item_indices": item_indices, "user_table": user_table, "item_table": item_table}

def reference(user_indices, item_indices, user_table, item_table):
    user_vecs = jnp.take(user_table, user_indices, axis=0)
    item_vecs = jnp.take(item_table, item_indices, axis=0)
    ratings_pred = (user_vecs * item_vecs).sum(axis=1)
    return ratings_pred

if __name__ == "__main__":
    import jax
    _d = setup_inputs()
    print(jax.jit(kernel)(*tuple(_d.values())))

</pallas_src>

<mosaic_0001>
#map = affine_map<(d0, d1) -> (0, 0)>
module attributes {stable_mosaic.version = 14 : i64} {
  func.func @sc_kernel(%arg0: i32, %arg1: i32, %arg2: memref<128x128xi32, #tpu.memory_space<hbm>>, %arg3: memref<128x128xi32, #tpu.memory_space<hbm>>, %arg4: memref<64x1000000xf32, #tpu.memory_space<hbm>>, %arg5: memref<64x1000000xf32, #tpu.memory_space<hbm>>, %arg6: memref<2x16384xf32, #tpu.memory_space<hbm>>, %arg7: memref<8x128xi32, #tpu.memory_space<vmem>>, %arg8: memref<8x128xi32, #tpu.memory_space<vmem>>, %arg9: memref<1000000xf32, #tpu.memory_space<vmem_shared>>, %arg10: memref<1000000xf32, #tpu.memory_space<vmem_shared>>, %arg11: memref<1024xf32, #tpu.memory_space<vmem>>, %arg12: memref<1024xf32, #tpu.memory_space<vmem>>, %arg13: memref<1024xf32, #tpu.memory_space<vmem>>, %arg14: memref<!tpu.dma_semaphore, #tpu.memory_space<semaphore_mem>>, %arg15: memref<!tpu.dma_semaphore, #tpu.memory_space<semaphore_mem>>, %arg16: memref<!tpu.dma_semaphore, #tpu.memory_space<semaphore_mem>>) attributes {dimension_semantics = [#tpu.dimension_semantics<core_parallel>, #tpu.dimension_semantics<subcore_parallel>], iteration_bounds = array<i64: 2, 16>, scalar_prefetch = 0 : i64, scratch_operands = 10 : i64, tpu.core_type = #tpu.core_type<sc_vector_subcore>, window_params = [{transform_indices = #map}, {transform_indices = #map}, {transform_indices = #map}, {transform_indices = #map}, {transform_indices = #map}]} {
    %mul3A = arith.constant 8 : i32
    %mul3A_0 = arith.muli %arg1, %mul3A : i32
    "tpu.region"() ({
      %run_scoped3A = tpu.sem_alloc : memref<!tpu.dma_semaphore, #tpu.memory_space<semaphore_mem>>
      %dma_start3A = arith.constant 0 : i32
      %dma_start3A_27 = tpu.memref_slice %arg2[%mul3A_0, %dma_start3A] : memref<128x128xi32, #tpu.memory_space<hbm>> -> memref<8x128xi32, #tpu.memory_space<hbm>>
      %dma_start3A_28 = arith.constant 0 : i32
      %dma_start3A_29 = tpu.memref_slice %arg2[%mul3A_0, %dma_start3A_28] : memref<128x128xi32, #tpu.memory_space<hbm>> -> memref<8x128xi32, #tpu.memory_space<hbm>>
      tpu.enqueue_dma source(%dma_start3A_29 : memref<8x128xi32, #tpu.memory_space<hbm>>) target(%arg7 : memref<8x128xi32, #tpu.memory_space<vmem>>) target_semaphore(%run_scoped3A : memref<!tpu.dma_semaphore, #tpu.memory_space<semaphore_mem>>)
      %dma_wait3A = arith.constant 0 : i32
      %dma_wait3A_30 = tpu.memref_slice %arg2[%mul3A_0, %dma_wait3A] : memref<128x128xi32, #tpu.memory_space<hbm>> -> memref<8x128xi32, #tpu.memory_space<hbm>>
      %dma_wait3A_31 = arith.constant 0 : i32
      %dma_wait3A_32 = tpu.memref_slice %arg2[%mul3A_0, %dma_wait3A_31] : memref<128x128xi32, #tpu.memory_space<hbm>> -> memref<8x128xi32, #tpu.memory_space<hbm>>
      tpu.wait_dma2 semaphore(%run_scoped3A : memref<!tpu.dma_semaphore, #tpu.memory_space<semaphore_mem>>) src(%dma_wait3A_32 : memref<8x128xi32, #tpu.memory_space<hbm>>) dst(%arg7 : memref<8x128xi32, #tpu.memory_space<vmem>>)
      tpu.yield
    }) : () -> ()
    %mul3A_1 = arith.constant 8 : i32
    %mul3A_2 = arith.muli %arg1, %mul3A_1 : i32
    "tpu.region"() ({
      %run_scoped3A = tpu.sem_alloc : memref<!tpu.dma_semaphore, #tpu.memory_space<semaphore_mem>>
      %dma_start3A = arith.constant 0 : i32
      %dma_start3A_27 = tpu.memref_slice %arg3[%mul3A_2, %dma_start3A] : memref<128x128xi32, #tpu.memory_space<hbm>> -> memref<8x128xi32, #tpu.memory_space<hbm>>
      %dma_start3A_28 = arith.constant 0 : i32
      %dma_start3A_29 = tpu.memref_slice %arg3[%mul3A_2, %dma_start3A_28] : memref<128x128xi32, #tpu.memory_space<hbm>> -> memref<8x128xi32, #tpu.memory_space<hbm>>
      tpu.enqueue_dma source(%dma_start3A_29 : memref<8x128xi32, #tpu.memory_space<hbm>>) target(%arg8 : memref<8x128xi32, #tpu.memory_space<vmem>>) target_semaphore(%run_scoped3A : memref<!tpu.dma_semaphore, #tpu.memory_space<semaphore_mem>>)
      %dma_wait3A = arith.constant 0 : i32
      %dma_wait3A_30 = tpu.memref_slice %arg3[%mul3A_2, %dma_wait3A] : memref<128x128xi32, #tpu.memory_space<hbm>> -> memref<8x128xi32, #tpu.memory_space<hbm>>
      %dma_wait3A_31 = arith.constant 0 : i32
      %dma_wait3A_32 = tpu.memref_slice %arg3[%mul3A_2, %dma_wait3A_31] : memref<128x128xi32, #tpu.memory_space<hbm>> -> memref<8x128xi32, #tpu.memory_space<hbm>>
      tpu.wait_dma2 semaphore(%run_scoped3A : memref<!tpu.dma_semaphore, #tpu.memory_space<semaphore_mem>>) src(%dma_wait3A_32 : memref<8x128xi32, #tpu.memory_space<hbm>>) dst(%arg8 : memref<8x128xi32, #tpu.memory_space<vmem>>)
      tpu.yield
    }) : () -> ()
    %scan3A = arith.constant 0 : i32
    %scan3A_3 = arith.constant 0 : i32
    %scan3A_4 = arith.constant 64 : i32
    %scan3A_5 = arith.addi %scan3A_3, %scan3A_4 : i32
    %scan3A_6 = arith.constant 1 : i32
    scf.for %scan3A_27 = %scan3A_3 to %scan3A_5 step %scan3A_6  : i32 {
      %broadcast_in_dim3A = arith.constant 0.000000e+00 : f32
      %broadcast_in_dim3A_28 = vector.broadcast %broadcast_in_dim3A : f32 to vector<16xf32>
      %mul3A_29 = arith.constant 16 : i32
      %mul3A_30 = arith.muli %scan3A_27, %mul3A_29 : i32
      %swap3A = arith.index_cast %mul3A_30 : i32 to index
      %swap3A_31 = tpu.vector_load %arg13[%swap3A] {strides = array<i32>} : memref<1024xf32, #tpu.memory_space<vmem>>, vector<16xf32>,
      tpu.vector_store %arg13[%swap3A], %broadcast_in_dim3A_28 {strides = array<i32>} : memref<1024xf32, #tpu.memory_space<vmem>>, vector<16xf32>,
    }
    %scan3A_7 = arith.constant 64 : i32
    %mul3A_8 = arith.constant 32 : i32
    %mul3A_9 = arith.muli %arg0, %mul3A_8 : i32
    %eq3A = arith.constant 0 : i32
    %eq3A_10 = arith.cmpi eq, %arg1, %eq3A : i32
    %convert_element_type3A = arith.extui %eq3A_10 : i1 to i32
    %cond3A = arith.constant 0 : i32
    %cond3A_11 = arith.cmpi ne, %convert_element_type3A, %cond3A : i32
    scf.if %cond3A_11 {
      %dma_start3A = arith.constant 0 : i32
      %dma_start3A_27 = tpu.memref_slice %arg4[%mul3A_9, %dma_start3A] : memref<64x1000000xf32, #tpu.memory_space<hbm>> -> memref<1x1000000xf32, #tpu.memory_space<hbm>>
      %dma_start3A_28 = tpu.memref_squeeze %dma_start3A_27 : memref<1x1000000xf32, #tpu.memory_space<hbm>> -> memref<1000000xf32, #tpu.memory_space<hbm>>
      tpu.enqueue_dma source(%dma_start3A_28 : memref<1000000xf32, #tpu.memory_space<hbm>>) target(%arg9 : memref<1000000xf32, #tpu.memory_space<vmem_shared>>) target_semaphore(%arg14 : memref<!tpu.dma_semaphore, #tpu.memory_space<semaphore_mem>>)
    } else {
    }
    %mul3A_12 = arith.constant 32 : i32
    %mul3A_13 = arith.muli %arg0, %mul3A_12 : i32
    %eq3A_14 = arith.constant 0 : i32
    %eq3A_15 = arith.cmpi eq, %arg1, %eq3A_14 : i32
    %convert_element_type3A_16 = arith.extui %eq3A_15 : i1 to i32
    %cond3A_17 = arith.constant 0 : i32
    %cond3A_18 = arith.cmpi ne, %convert_element_type3A_16, %cond3A_17 : i32
    scf.if %cond3A_18 {
      %dma_start3A = arith.constant 0 : i32
      %dma_start3A_27 = tpu.memref_slice %arg5[%mul3A_13, %dma_start3A] : memref<64x1000000xf32, #tpu.memory_space<hbm>> -> memref<1x1000000xf32, #tpu.memory_space<hbm>>
      %dma_start3A_28 = tpu.memref_squeeze %dma_start3A_27 : memref<1x1000000xf32, #tpu.memory_space<hbm>> -> memref<1000000xf32, #tpu.memory_space<hbm>>
      tpu.enqueue_dma source(%dma_start3A_28 : memref<1000000xf32, #tpu.memory_space<hbm>>) target(%arg10 : memref<1000000xf32, #tpu.memory_space<vmem_shared>>) target_semaphore(%arg15 : memref<!tpu.dma_semaphore, #tpu.memory_space<semaphore_mem>>)
    } else {
    }
    %scan3A_19 = arith.constant 0 : i32
    %scan3A_20 = arith.constant 0 : i32
    %scan3A_21 = arith.constant 32 : i32
    %scan3A_22 = arith.addi %scan3A_20, %scan3A_21 : i32
    %scan3A_23 = arith.constant 1 : i32
    scf.for %scan3A_27 = %scan3A_20 to %scan3A_22 step %scan3A_23  : i32 {
      %mul3A_28 = arith.constant 32 : i32
      %mul3A_29 = arith.muli %arg0, %mul3A_28 : i32
      %add3A = arith.addi %mul3A_29, %scan3A_27 : i32
      %eq3A_30 = arith.constant 0 : i32
      %eq3A_31 = arith.cmpi eq, %arg1, %eq3A_30 : i32
      %convert_element_type3A_32 = arith.extui %eq3A_31 : i1 to i32
      %cond3A_33 = arith.constant 0 : i32
      %cond3A_34 = arith.cmpi ne, %convert_element_type3A_32, %cond3A_33 : i32
      scf.if %cond3A_34 {
        %dma_wait3A_316 = arith.constant 0 : i32
        %dma_wait3A_317 = tpu.memref_slice %arg4[%add3A, %dma_wait3A_316] : memref<64x1000000xf32, #tpu.memory_space<hbm>> -> memref<1x1000000xf32, #tpu.memory_space<hbm>>
        %dma_wait3A_318 = tpu.memref_squeeze %dma_wait3A_317 : memref<1x1000000xf32, #tpu.memory_space<hbm>> -> memref<1000000xf32, #tpu.memory_space<hbm>>
        tpu.wait_dma2 semaphore(%arg14 : memref<!tpu.dma_semaphore, #tpu.memory_space<semaphore_mem>>) src(%dma_wait3A_318 : memref<1000000xf32, #tpu.memory_space<hbm>>) dst(%arg9 : memref<1000000xf32, #tpu.memory_space<vmem_shared>>)
      } else {
      }
      %barrier3A = arith.constant 0 : index
      tpu.barrier barrier_id(%barrier3A)
      %dma_start3A = arith.constant 0 : i32
      %dma_start3A_35 = arith.constant 0 : i32
      %dma_start3A_36 = tpu.memref_slice %arg11[%dma_start3A_35] : memref<1024xf32, #tpu.memory_space<vmem>> -> memref<128xf32, #tpu.memory_space<vmem>>
      %dma_start3A_37 = arith.constant 0 : i32
      %dma_start3A_38 = tpu.memref_slice %arg7[%dma_start3A, %dma_start3A_37] : memref<8x128xi32, #tpu.memory_space<vmem>> -> memref<1x128xi32, #tpu.memory_space<vmem>>
      %dma_start3A_39 = tpu.memref_squeeze %dma_start3A_38 : memref<1x128xi32, #tpu.memory_space<vmem>> -> memref<128xi32, #tpu.memory_space<vmem>>
      %dma_start3A_40 = arith.constant 0 : i32
      %dma_start3A_41 = tpu.memref_slice %arg9[%dma_start3A_40] : memref<1000000xf32, #tpu.memory_space<vmem_shared>> -> memref<1000000xf32, #tpu.memory_space<vmem_shared>>
      tpu.enqueue_indirect_dma source(%dma_start3A_41 : memref<1000000xf32, #tpu.memory_space<vmem_shared>>) target(%dma_start3A_36 : memref<128xf32, #tpu.memory_space<vmem>>) offsets(%dma_start3A_39 : memref<128xi32, #tpu.memory_space<vmem>>) semaphore(%arg16 : memref<!tpu.dma_semaphore, #tpu.memory_space<semaphore_mem>>)
      %dma_start3A_42 = arith.constant 1 : i32
      %dma_start3A_43 = arith.constant 128 : i32
      %dma_start3A_44 = tpu.memref_slice %arg11[%dma_start3A_43] : memref<1024xf32, #tpu.memory_space<vmem>> -> memref<128xf32, #tpu.memory_space<vmem>>
      %dma_start3A_45 = arith.constant 0 : i32
      %dma_start3A_46 = tpu.memref_slice %arg7[%dma_start3A_42, %dma_start3A_45] : memref<8x128xi32, #tpu.memory_space<vmem>> -> memref<1x128xi32, #tpu.memory_space<vmem>>
      %dma_start3A_47 = tpu.memref_squeeze %dma_start3A_46 : memref<1x128xi32, #tpu.memory_space<vmem>> -> memref<128xi32, #tpu.memory_space<vmem>>
      %dma_start3A_48 = arith.constant 0 : i32
      %dma_start3A_49 = tpu.memref_slice %arg9[%dma_start3A_48] : memref<1000000xf32, #tpu.memory_space<vmem_shared>> -> memref<1000000xf32, #tpu.memory_space<vmem_shared>>
      tpu.enqueue_indirect_dma source(%dma_start3A_49 : memref<1000000xf32, #tpu.memory_space<vmem_shared>>) target(%dma_start3A_44 : memref<128xf32, #tpu.memory_space<vmem>>) offsets(%dma_start3A_47 : memref<128xi32, #tpu.memory_space<vmem>>) semaphore(%arg16 : memref<!tpu.dma_semaphore, #tpu.memory_space<semaphore_mem>>)
      %dma_start3A_50 = arith.constant 2 : i32
      %dma_start3A_51 = arith.constant 256 : i32
      %dma_start3A_52 = tpu.memref_slice %arg11[%dma_start3A_51] : memref<1024xf32, #tpu.memory_space<vmem>> -> memref<128xf32, #tpu.memory_space<vmem>>
      %dma_start3A_53 = arith.constant 0 : i32
      %dma_start3A_54 = tpu.memref_slice %arg7[%dma_start3A_50, %dma_start3A_53] : memref<8x128xi32, #tpu.memory_space<vmem>> -> memref<1x128xi32, #tpu.memory_space<vmem>>
      %dma_start3A_55 = tpu.memref_squeeze %dma_start3A_54 : memref<1x128xi32, #tpu.memory_space<vmem>> -> memref<128xi32, #tpu.memory_space<vmem>>
      %dma_start3A_56 = arith.constant 0 : i32
      %dma_start3A_57 = tpu.memref_slice %arg9[%dma_start3A_56] : memref<1000000xf32, #tpu.memory_space<vmem_shared>> -> memref<1000000xf32, #tpu.memory_space<vmem_shared>>
      tpu.enqueue_indirect_dma source(%dma_start3A_57 : memref<1000000xf32, #tpu.memory_space<vmem_shared>>) target(%dma_start3A_52 : memref<128xf32, #tpu.memory_space<vmem>>) offsets(%dma_start3A_55 : memref<128xi32, #tpu.memory_space<vmem>>) semaphore(%arg16 : memref<!tpu.dma_semaphore, #tpu.memory_space<semaphore_mem>>)
      %dma_start3A_58 = arith.constant 3 : i32
      %dma_start3A_59 = arith.constant 384 : i32
      %dma_start3A_60 = tpu.memref_slice %arg11[%dma_start3A_59] : memref<1024xf32, #tpu.memory_space<vmem>> -> memref<128xf32, #tpu.memory_space<vmem>>
      %dma_start3A_61 = arith.constant 0 : i32
      %dma_start3A_62 = tpu.memref_slice %arg7[%dma_start3A_58, %dma_start3A_61] : memref<8x128xi32, #tpu.memory_space<vmem>> -> memref<1x128xi32, #tpu.memory_space<vmem>>
      %dma_start3A_63 = tpu.memref_squeeze %dma_start3A_62 : memref<1x128xi32, #tpu.memory_space<vmem>> -> memref<128xi32, #tpu.memory_space<vmem>>
      %dma_start3A_64 = arith.constant 0 : i32
      %dma_start3A_65 = tpu.memref_slice %arg9[%dma_start3A_64] : memref<1000000xf32, #tpu.memory_space<vmem_shared>> -> memref<1000000xf32, #tpu.memory_space<vmem_shared>>
      tpu.enqueue_indirect_dma source(%dma_start3A_65 : memref<1000000xf32, #tpu.memory_space<vmem_shared>>) target(%dma_start3A_60 : memref<128xf32, #tpu.memory_space<vmem>>) offsets(%dma_start3A_63 : memref<128xi32, #tpu.memory_space<vmem>>) semaphore(%arg16 : memref<!tpu.dma_semaphore, #tpu.memory_space<semaphore_mem>>)
      %dma_start3A_66 = arith.constant 4 : i32
      %dma_start3A_67 = arith.constant 512 : i32
      %dma_start3A_68 = tpu.memref_slice %arg11[%dma_start3A_67] : memref<1024xf32, #tpu.memory_space<vmem>> -> memref<128xf32, #tpu.memory_space<vmem>>
      %dma_start3A_69 = arith.constant 0 : i32
      %dma_start3A_70 = tpu.memref_slice %arg7[%dma_start3A_66, %dma_start3A_69] : memref<8x128xi32, #tpu.memory_space<vmem>> -> memref<1x128xi32, #tpu.memory_space<vmem>>
      %dma_start3A_71 = tpu.memref_squeeze %dma_start3A_70 : memref<1x128xi32, #tpu.memory_space<vmem>> -> memref<128xi32, #tpu.memory_space<vmem>>
      %dma_start3A_72 = arith.constant 0 : i32
      %dma_start3A_73 = tpu.memref_slice %arg9[%dma_start3A_72] : memref<1000000xf32, #tpu.memory_space<vmem_shared>> -> memref<1000000xf32, #tpu.memory_space<vmem_shared>>
      tpu.enqueue_indirect_dma source(%dma_start3A_73 : memref<1000000xf32, #tpu.memory_space<vmem_shared>>) target(%dma_start3A_68 : memref<128xf32, #tpu.memory_space<vmem>>) offsets(%dma_start3A_71 : memref<128xi32, #tpu.memory_space<vmem>>) semaphore(%arg16 : memref<!tpu.dma_semaphore, #tpu.memory_space<semaphore_mem>>)
      %dma_start3A_74 = arith.constant 5 : i32
      %dma_start3A_75 = arith.constant 640 : i32
      %dma_start3A_76 = tpu.memref_slice %arg11[%dma_start3A_75] : memref<1024xf32, #tpu.memory_space<vmem>> -> memref<128xf32, #tpu.memory_space<vmem>>
      %dma_start3A_77 = arith.constant 0 : i32
      %dma_start3A_78 = tpu.memref_slice %arg7[%dma_start3A_74, %dma_start3A_77] : memref<8x128xi32, #tpu.memory_space<vmem>> -> memref<1x128xi32, #tpu.memory_space<vmem>>
      %dma_start3A_79 = tpu.memref_squeeze %dma_start3A_78 : memref<1x128xi32, #tpu.memory_space<vmem>> -> memref<128xi32, #tpu.memory_space<vmem>>
      %dma_start3A_80 = arith.constant 0 : i32
      %dma_start3A_81 = tpu.memref_slice %arg9[%dma_start3A_80] : memref<1000000xf32, #tpu.memory_space<vmem_shared>> -> memref<1000000xf32, #tpu.memory_space<vmem_shared>>
      tpu.enqueue_indirect_dma source(%dma_start3A_81 : memref<1000000xf32, #tpu.memory_space<vmem_shared>>) target(%dma_start3A_76 : memref<128xf32, #tpu.memory_space<vmem>>) offsets(%dma_start3A_79 : memref<128xi32, #tpu.memory_space<vmem>>) semaphore(%arg16 : memref<!tpu.dma_semaphore, #tpu.memory_space<semaphore_mem>>)
      %dma_start3A_82 = arith.constant 6 : i32
      %dma_start3A_83 = arith.constant 768 : i32
      %dma_start3A_84 = tpu.memref_slice %arg11[%dma_start3A_83] : memref<1024xf32, #tpu.memory_space<vmem>> -> memref<128xf32, #tpu.memory_space<vmem>>
      %dma_start3A_85 = arith.constant 0 : i32
      %dma_start3A_86 = tpu.memref_slice %arg7[%dma_start3A_82, %dma_start3A_85] : memref<8x128xi32, #tpu.memory_space<vmem>> -> memref<1x128xi32, #tpu.memory_space<vmem>>
      %dma_start3A_87 = tpu.memref_squeeze %dma_start3A_86 : memref<1x128xi32, #tpu.memory_space<vmem>> -> memref<128xi32, #tpu.memory_space<vmem>>
      %dma_start3A_88 = arith.constant 0 : i32
      %dma_start3A_89 = tpu.memref_slice %arg9[%dma_start3A_88] : memref<1000000xf32, #tpu.memory_space<vmem_shared>> -> memref<1000000xf32, #tpu.memory_space<vmem_shared>>
      tpu.enqueue_indirect_dma source(%dma_start3A_89 : memref<1000000xf32, #tpu.memory_space<vmem_shared>>) target(%dma_start3A_84 : memref<128xf32, #tpu.memory_space<vmem>>) offsets(%dma_start3A_87 : memref<128xi32, #tpu.memory_space<vmem>>) semaphore(%arg16 : memref<!tpu.dma_semaphore, #tpu.memory_space<semaphore_mem>>)
      %dma_start3A_90 = arith.constant 7 : i32
      %dma_start3A_91 = arith.constant 896 : i32
      %dma_start3A_92 = tpu.memref_slice %arg11[%dma_start3A_91] : memref<1024xf32, #tpu.memory_space<vmem>> -> memref<128xf32, #tpu.memory_space<vmem>>
      %dma_start3A_93 = arith.constant 0 : i32
      %dma_start3A_94 = tpu.memref_slice %arg7[%dma_start3A_90, %dma_start3A_93] : memref<8x128xi32, #tpu.memory_space<vmem>> -> memref<1x128xi32, #tpu.memory_space<vmem>>
      %dma_start3A_95 = tpu.memref_squeeze %dma_start3A_94 : memref<1x128xi32, #tpu.memory_space<vmem>> -> memref<128xi32, #tpu.memory_space<vmem>>
      %dma_start3A_96 = arith.constant 0 : i32
      %dma_start3A_97 = tpu.memref_slice %arg9[%dma_start3A_96] : memref<1000000xf32, #tpu.memory_space<vmem_shared>> -> memref<1000000xf32, #tpu.memory_space<vmem_shared>>
      tpu.enqueue_indirect_dma source(%dma_start3A_97 : memref<1000000xf32, #tpu.memory_space<vmem_shared>>) target(%dma_start3A_92 : memref<128xf32, #tpu.memory_space<vmem>>) offsets(%dma_start3A_95 : memref<128xi32, #tpu.memory_space<vmem>>) semaphore(%arg16 : memref<!tpu.dma_semaphore, #tpu.memory_space<semaphore_mem>>)
      %dma_wait3A = arith.constant 0 : i32
      %dma_wait3A_98 = arith.constant 0 : i32
      %dma_wait3A_99 = tpu.memref_slice %arg11[%dma_wait3A_98] : memref<1024xf32, #tpu.memory_space<vmem>> -> memref<128xf32, #tpu.memory_space<vmem>>
      %dma_wait3A_100 = arith.constant 0 : i32
      %dma_wait3A_101 = tpu.memref_slice %arg7[%dma_wait3A, %dma_wait3A_100] : memref<8x128xi32, #tpu.memory_space<vmem>> -> memref<1x128xi32, #tpu.memory_space<vmem>>
      %dma_wait3A_102 = tpu.memref_squeeze %dma_wait3A_101 : memref<1x128xi32, #tpu.memory_space<vmem>> -> memref<128xi32, #tpu.memory_space<vmem>>
      %dma_wait3A_103 = arith.constant 0 : i32
      %dma_wait3A_104 = tpu.memref_slice %arg9[%dma_wait3A_103] : memref<1000000xf32, #tpu.memory_space<vmem_shared>> -> memref<1000000xf32, #tpu.memory_space<vmem_shared>>
      tpu.wait_indirect_dma semaphore(%arg16 : memref<!tpu.dma_semaphore, #tpu.memory_space<semaphore_mem>>) src(%dma_wait3A_104 : memref<1000000xf32, #tpu.memory_space<vmem_shared>>) dst(%dma_wait3A_99 : memref<128xf32, #tpu.memory_space<vmem>>)
      %dma_wait3A_105 = arith.constant 1 : i32
      %dma_wait3A_106 = arith.constant 128 : i32
      %dma_wait3A_107 = tpu.memref_slice %arg11[%dma_wait3A_106] : memref<1024xf32, #tpu.memory_space<vmem>> -> memref<128xf32, #tpu.memory_space<vmem>>
      %dma_wait3A_108 = arith.constant 0 : i32
      %dma_wait3A_109 = tpu.memref_slice %arg7[%dma_wait3A_105, %dma_wait3A_108] : memref<8x128xi32, #tpu.memory_space<vmem>> -> memref<1x128xi32, #tpu.memory_space<vmem>>
      %dma_wait3A_110 = tpu.memref_squeeze %dma_wait3A_109 : memref<1x128xi32, #tpu.memory_space<vmem>> -> memref<128xi32, #tpu.memory_space<vmem>>
      %dma_wait3A_111 = arith.constant 0 : i32
      %dma_wait3A_112 = tpu.memref_slice %arg9[%dma_wait3A_111] : memref<1000000xf32, #tpu.memory_space<vmem_shared>> -> memref<1000000xf32, #tpu.memory_space<vmem_shared>>
      tpu.wait_indirect_dma semaphore(%arg16 : memref<!tpu.dma_semaphore, #tpu.memory_space<semaphore_mem>>) src(%dma_wait3A_112 : memref<1000000xf32, #tpu.memory_space<vmem_shared>>) dst(%dma_wait3A_107 : memref<128xf32, #tpu.memory_space<vmem>>)
      %dma_wait3A_113 = arith.constant 2 : i32
      %dma_wait3A_114 = arith.constant 256 : i32
      %dma_wait3A_115 = tpu.memref_slice %arg11[%dma_wait3A_114] : memref<1024xf32, #tpu.memory_space<vmem>> -> memref<128xf32, #tpu.memory_space<vmem>>
      %dma_wait3A_116 = arith.constant 0 : i32
      %dma_wait3A_117 = tpu.memref_slice %arg7[%dma_wait3A_113, %dma_wait3A_116] : memref<8x128xi32, #tpu.memory_space<vmem>> -> memref<1x128xi32, #tpu.memory_space<vmem>>
      %dma_wait3A_118 = tpu.memref_squeeze %dma_wait3A_117 : memref<1x128xi32, #tpu.memory_space<vmem>> -> memref<128xi32, #tpu.memory_space<vmem>>
      %dma_wait3A_119 = arith.constant 0 : i32
      %dma_wait3A_120 = tpu.memref_slice %arg9[%dma_wait3A_119] : memref<1000000xf32, #tpu.memory_space<vmem_shared>> -> memref<1000000xf32, #tpu.memory_space<vmem_shared>>
      tpu.wait_indirect_dma semaphore(%arg16 : memref<!tpu.dma_semaphore, #tpu.memory_space<semaphore_mem>>) src(%dma_wait3A_120 : memref<1000000xf32, #tpu.memory_space<vmem_shared>>) dst(%dma_wait3A_115 : memref<128xf32, #tpu.memory_space<vmem>>)
      %dma_wait3A_121 = arith.constant 3 : i32
      %dma_wait3A_122 = arith.constant 384 : i32
      %dma_wait3A_123 = tpu.memref_slice %arg11[%dma_wait3A_122] : memref<1024xf32, #tpu.memory_space<vmem>> -> memref<128xf32, #tpu.memory_space<vmem>>
      %dma_wait3A_124 = arith.constant 0 : i32
      %dma_wait3A_125 = tpu.memref_slice %arg7[%dma_wait3A_121, %dma_wait3A_124] : memref<8x128xi32, #tpu.memory_space<vmem>> -> memref<1x128xi32, #tpu.memory_space<vmem>>
      %dma_wait3A_126 = tpu.memref_squeeze %dma_wait3A_125 : memref<1x128xi32, #tpu.memory_space<vmem>> -> memref<128xi32, #tpu.memory_space<vmem>>
      %dma_wait3A_127 = arith.constant 0 : i32
      %dma_wait3A_128 = tpu.memref_slice %arg9[%dma_wait3A_127] : memref<1000000xf32, #tpu.memory_space<vmem_shared>> -> memref<1000000xf32, #tpu.memory_space<vmem_shared>>
      tpu.wait_indirect_dma semaphore(%arg16 : memref<!tpu.dma_semaphore, #tpu.memory_space<semaphore_mem>>) src(%dma_wait3A_128 : memref<1000000xf32, #tpu.memory_space<vmem_shared>>) dst(%dma_wait3A_123 : memref<128xf32, #tpu.memory_space<vmem>>)
      %dma_wait3A_129 = arith.constant 4 : i32
      %dma_wait3A_130 = arith.constant 512 : i32
      %dma_wait3A_131 = tpu.memref_slice %arg11[%dma_wait3A_130] : memref<1024xf32, #tpu.memory_space<vmem>> -> memref<128xf32, #tpu.memory_space<vmem>>
      %dma_wait3A_132 = arith.constant 0 : i32
      %dma_wait3A_133 = tpu.memref_slice %arg7[%dma_wait3A_129, %dma_wait3A_132] : memref<8x128xi32, #tpu.memory_space<vmem>> -> memref<1x128xi32, #tpu.memory_space<vmem>>
      %dma_wait3A_134 = tpu.memref_squeeze %dma_wait3A_133 : memref<1x128xi32, #tpu.memory_space<vmem>> -> memref<128xi32, #tpu.memory_space<vmem>>
      %dma_wait3A_135 = arith.constant 0 : i32
      %dma_wait3A_136 = tpu.memref_slice %arg9[%dma_wait3A_135] : memref<1000000xf32, #tpu.memory_space<vmem_shared>> -> memref<1000000xf32, #tpu.memory_space<vmem_shared>>
      tpu.wait_indirect_dma semaphore(%arg16 : memref<!tpu.dma_semaphore, #tpu.memory_space<semaphore_mem>>) src(%dma_wait3A_136 : memref<1000000xf32, #tpu.memory_space<vmem_shared>>) dst(%dma_wait3A_131 : memref<128xf32, #tpu.memory_space<vmem>>)
      %dma_wait3A_137 = arith.constant 5 : i32
      %dma_wait3A_138 = arith.constant 640 : i32
      %dma_wait3A_139 = tpu.memref_slice %arg11[%dma_wait3A_138] : memref<1024xf32, #tpu.memory_space<vmem>> -> memref<128xf32, #tpu.memory_space<vmem>>
      %dma_wait3A_140 = arith.constant 0 : i32
      %dma_wait3A_141 = tpu.memref_slice %arg7[%dma_wait3A_137, %dma_wait3A_140] : memref<8x128xi32, #tpu.memory_space<vmem>> -> memref<1x128xi32, #tpu.memory_space<vmem>>
      %dma_wait3A_142 = tpu.memref_squeeze %dma_wait3A_141 : memref<1x128xi32, #tpu.memory_space<vmem>> -> memref<128xi32, #tpu.memory_space<vmem>>
      %dma_wait3A_143 = arith.constant 0 : i32
      %dma_wait3A_144 = tpu.memref_slice %arg9[%dma_wait3A_143] : memref<1000000xf32, #tpu.memory_space<vmem_shared>> -> memref<1000000xf32, #tpu.memory_space<vmem_shared>>
      tpu.wait_indirect_dma semaphore(%arg16 : memref<!tpu.dma_semaphore, #tpu.memory_space<semaphore_mem>>) src(%dma_wait3A_144 : memref<1000000xf32, #tpu.memory_space<vmem_shared>>) dst(%dma_wait3A_139 : memref<128xf32, #tpu.memory_space<vmem>>)
      %dma_wait3A_145 = arith.constant 6 : i32
      %dma_wait3A_146 = arith.constant 768 : i32
      %dma_wait3A_147 = tpu.memref_slice %arg11[%dma_wait3A_146] : memref<1024xf32, #tpu.memory_space<vmem>> -> memref<128xf32, #tpu.memory_space<vmem>>
      %dma_wait3A_148 = arith.constant 0 : i32
      %dma_wait3A_149 = tpu.memref_slice %arg7[%dma_wait3A_145, %dma_wait3A_148] : memref<8x128xi32, #tpu.memory_space<vmem>> -> memref<1x128xi32, #tpu.memory_space<vmem>>
      %dma_wait3A_150 = tpu.memref_squeeze %dma_wait3A_149 : memref<1x128xi32, #tpu.memory_space<vmem>> -> memref<128xi32, #tpu.memory_space<vmem>>
      %dma_wait3A_151 = arith.constant 0 : i32
      %dma_wait3A_152 = tpu.memref_slice %arg9[%dma_wait3A_151] : memref<1000000xf32, #tpu.memory_space<vmem_shared>> -> memref<1000000xf32, #tpu.memory_space<vmem_shared>>
      tpu.wait_indirect_dma semaphore(%arg16 : memref<!tpu.dma_semaphore, #tpu.memory_space<semaphore_mem>>) src(%dma_wait3A_152 : memref<1000000xf32, #tpu.memory_space<vmem_shared>>) dst(%dma_wait3A_147 : memref<128xf32, #tpu.memory_space<vmem>>)
      %dma_wait3A_153 = arith.constant 7 : i32
      %dma_wait3A_154 = arith.constant 896 : i32
      %dma_wait3A_155 = tpu.memref_slice %arg11[%dma_wait3A_154] : memref<1024xf32, #tpu.memory_space<vmem>> -> memref<128xf32, #tpu.memory_space<vmem>>
      %dma_wait3A_156 = arith.constant 0 : i32
      %dma_wait3A_157 = tpu.memref_slice %arg7[%dma_wait3A_153, %dma_wait3A_156] : memref<8x128xi32, #tpu.memory_space<vmem>> -> memref<1x128xi32, #tpu.memory_space<vmem>>
      %dma_wait3A_158 = tpu.memref_squeeze %dma_wait3A_157 : memref<1x128xi32, #tpu.memory_space<vmem>> -> memref<128xi32, #tpu.memory_space<vmem>>
      %dma_wait3A_159 = arith.constant 0 : i32
      %dma_wait3A_160 = tpu.memref_slice %arg9[%dma_wait3A_159] : memref<1000000xf32, #tpu.memory_space<vmem_shared>> -> memref<1000000xf32, #tpu.memory_space<vmem_shared>>
      tpu.wait_indirect_dma semaphore(%arg16 : memref<!tpu.dma_semaphore, #tpu.memory_space<semaphore_mem>>) src(%dma_wait3A_160 : memref<1000000xf32, #tpu.memory_space<vmem_shared>>) dst(%dma_wait3A_155 : memref<128xf32, #tpu.memory_space<vmem>>)
      %barrier3A_161 = arith.constant 0 : index
      tpu.barrier barrier_id(%barrier3A_161)
      %add3A_162 = arith.constant 1 : i32
      %add3A_163 = arith.addi %scan3A_27, %add3A_162 : i32
      %lt3A = arith.constant 32 : i32
      %lt3A_164 = arith.cmpi slt, %add3A_163, %lt3A : i32
      %convert_element_type3A_165 = arith.extui %lt3A_164 : i1 to i32
      %cond3A_166 = arith.constant 0 : i32
      %cond3A_167 = arith.cmpi ne, %convert_element_type3A_165, %cond3A_166 : i32
      scf.if %cond3A_167 {
        %add3A_316 = arith.constant 1 : i32
        %add3A_317 = arith.addi %add3A, %add3A_316 : i32
        %eq3A_318 = arith.constant 0 : i32
        %eq3A_319 = arith.cmpi eq, %arg1, %eq3A_318 : i32
        %convert_element_type3A_320 = arith.extui %eq3A_319 : i1 to i32
        %cond3A_321 = arith.constant 0 : i32
        %cond3A_322 = arith.cmpi ne, %convert_element_type3A_320, %cond3A_321 : i32
        scf.if %cond3A_322 {
          %dma_start3A_323 = arith.constant 0 : i32
          %dma_start3A_324 = tpu.memref_slice %arg4[%add3A_317, %dma_start3A_323] : memref<64x1000000xf32, #tpu.memory_space<hbm>> -> memref<1x1000000xf32, #tpu.memory_space<hbm>>
          %dma_start3A_325 = tpu.memref_squeeze %dma_start3A_324 : memref<1x1000000xf32, #tpu.memory_space<hbm>> -> memref<1000000xf32, #tpu.memory_space<hbm>>
          tpu.enqueue_dma source(%dma_start3A_325 : memref<1000000xf32, #tpu.memory_space<hbm>>) target(%arg9 : memref<1000000xf32, #tpu.memory_space<vmem_shared>>) target_semaphore(%arg14 : memref<!tpu.dma_semaphore, #tpu.memory_space<semaphore_mem>>)
        } else {
        }
      } else {
      }
      %eq3A_168 = arith.constant 0 : i32
      %eq3A_169 = arith.cmpi eq, %arg1, %eq3A_168 : i32
      %convert_element_type3A_170 = arith.extui %eq3A_169 : i1 to i32
      %cond3A_171 = arith.constant 0 : i32
      %cond3A_172 = arith.cmpi ne, %convert_element_type3A_170, %cond3A_171 : i32
      scf.if %cond3A_172 {
        %dma_wait3A_316 = arith.constant 0 : i32
        %dma_wait3A_317 = tpu.memref_slice %arg5[%add3A, %dma_wait3A_316] : memref<64x1000000xf32, #tpu.memory_space<hbm>> -> memref<1x1000000xf32, #tpu.memory_space<hbm>>
        %dma_wait3A_318 = tpu.memref_squeeze %dma_wait3A_317 : memref<1x1000000xf32, #tpu.memory_space<hbm>> -> memref<1000000xf32, #tpu.memory_space<hbm>>
        tpu.wait_dma2 semaphore(%arg15 : memref<!tpu.dma_semaphore, #tpu.memory_space<semaphore_mem>>) src(%dma_wait3A_318 : memref<1000000xf32, #tpu.memory_space<hbm>>) dst(%arg10 : memref<1000000xf32, #tpu.memory_space<vmem_shared>>)
      } else {
      }
      %barrier3A_173 = arith.constant 0 : index
      tpu.barrier barrier_id(%barrier3A_173)
      %dma_start3A_174 = arith.constant 0 : i32
      %dma_start3A_175 = arith.constant 0 : i32
      %dma_start3A_176 = tpu.memref_slice %arg12[%dma_start3A_175] : memref<1024xf32, #tpu.memory_space<vmem>> -> memref<128xf32, #tpu.memory_space<vmem>>
      %dma_start3A_177 = arith.constant 0 : i32
      %dma_start3A_178 = tpu.memref_slice %arg8[%dma_start3A_174, %dma_start3A_177] : memref<8x128xi32, #tpu.memory_space<vmem>> -> memref<1x128xi32, #tpu.memory_space<vmem>>
      %dma_start3A_179 = tpu.memref_squeeze %dma_start3A_178 : memref<1x128xi32, #tpu.memory_space<vmem>> -> memref<128xi32, #tpu.memory_space<vmem>>
      %dma_start3A_180 = arith.constant 0 : i32
      %dma_start3A_181 = tpu.memref_slice %arg10[%dma_start3A_180] : memref<1000000xf32, #tpu.memory_space<vmem_shared>> -> memref<1000000xf32, #tpu.memory_space<vmem_shared>>
      tpu.enqueue_indirect_dma source(%dma_start3A_181 : memref<1000000xf32, #tpu.memory_space<vmem_shared>>) target(%dma_start3A_176 : memref<128xf32, #tpu.memory_space<vmem>>) offsets(%dma_start3A_179 : memref<128xi32, #tpu.memory_space<vmem>>) semaphore(%arg16 : memref<!tpu.dma_semaphore, #tpu.memory_space<semaphore_mem>>)
      %dma_start3A_182 = arith.constant 1 : i32
      %dma_start3A_183 = arith.constant 128 : i32
      %dma_start3A_184 = tpu.memref_slice %arg12[%dma_start3A_183] : memref<1024xf32, #tpu.memory_space<vmem>> -> memref<128xf32, #tpu.memory_space<vmem>>
      %dma_start3A_185 = arith.constant 0 : i32
      %dma_start3A_186 = tpu.memref_slice %arg8[%dma_start3A_182, %dma_start3A_185] : memref<8x128xi32, #tpu.memory_space<vmem>> -> memref<1x128xi32, #tpu.memory_space<vmem>>
      %dma_start3A_187 = tpu.memref_squeeze %dma_start3A_186 : memref<1x128xi32, #tpu.memory_space<vmem>> -> memref<128xi32, #tpu.memory_space<vmem>>
      %dma_start3A_188 = arith.constant 0 : i32
      %dma_start3A_189 = tpu.memref_slice %arg10[%dma_start3A_188] : memref<1000000xf32, #tpu.memory_space<vmem_shared>> -> memref<1000000xf32, #tpu.memory_space<vmem_shared>>
      tpu.enqueue_indirect_dma source(%dma_start3A_189 : memref<1000000xf32, #tpu.memory_space<vmem_shared>>) target(%dma_start3A_184 : memref<128xf32, #tpu.memory_space<vmem>>) offsets(%dma_start3A_187 : memref<128xi32, #tpu.memory_space<vmem>>) semaphore(%arg16 : memref<!tpu.dma_semaphore, #tpu.memory_space<semaphore_mem>>)
      %dma_start3A_190 = arith.constant 2 : i32
      %dma_start3A_191 = arith.constant 256 : i32
      %dma_start3A_192 = tpu.memref_slice %arg12[%dma_start3A_191] : memref<1024xf32, #tpu.memory_space<vmem>> -> memref<128xf32, #tpu.memory_space<vmem>>
      %dma_start3A_193 = arith.constant 0 : i32
      %dma_start3A_194 = tpu.memref_slice %arg8[%dma_start3A_190, %dma_start3A_193] : memref<8x128xi32, #tpu.memory_space<vmem>> -> memref<1x128xi32, #tpu.memory_space<vmem>>
      %dma_start3A_195 = tpu.memref_squeeze %dma_start3A_194 : memref<1x128xi32, #tpu.memory_space<vmem>> -> memref<128xi32, #tpu.memory_space<vmem>>
      %dma_start3A_196 = arith.constant 0 : i32
      %dma_start3A_197 = tpu.memref_slice %arg10[%dma_start3A_196] : memref<1000000xf32, #tpu.memory_space<vmem_shared>> -> memref<1000000xf32, #tpu.memory_space<vmem_shared>>
      tpu.enqueue_indirect_dma source(%dma_start3A_197 : memref<1000000xf32, #tpu.memory_space<vmem_shared>>) target(%dma_start3A_192 : memref<128xf32, #tpu.memory_space<vmem>>) offsets(%dma_start3A_195 : memref<128xi32, #tpu.memory_space<vmem>>) semaphore(%arg16 : memref<!tpu.dma_semaphore, #tpu.memory_space<semaphore_mem>>)
      %dma_start3A_198 = arith.constant 3 : i32
      %dma_start3A_199 = arith.constant 384 : i32
      %dma_start3A_200 = tpu.memref_slice %arg12[%dma_start3A_199] : memref<1024xf32, #tpu.memory_space<vmem>> -> memref<128xf32, #tpu.memory_space<vmem>>
      %dma_start3A_201 = arith.constant 0 : i32
      %dma_start3A_202 = tpu.memref_slice %arg8[%dma_start3A_198, %dma_start3A_201] : memref<8x128xi32, #tpu.memory_space<vmem>> -> memref<1x128xi32, #tpu.memory_space<vmem>>
      %dma_start3A_203 = tpu.memref_squeeze %dma_start3A_202 : memref<1x128xi32, #tpu.memory_space<vmem>> -> memref<128xi32, #tpu.memory_space<vmem>>
      %dma_start3A_204 = arith.constant 0 : i32
      %dma_start3A_205 = tpu.memref_slice %arg10[%dma_start3A_204] : memref<1000000xf32, #tpu.memory_space<vmem_shared>> -> memref<1000000xf32, #tpu.memory_space<vmem_shared>>
      tpu.enqueue_indirect_dma source(%dma_start3A_205 : memref<1000000xf32, #tpu.memory_space<vmem_shared>>) target(%dma_start3A_200 : memref<128xf32, #tpu.memory_space<vmem>>) offsets(%dma_start3A_203 : memref<128xi32, #tpu.memory_space<vmem>>) semaphore(%arg16 : memref<!tpu.dma_semaphore, #tpu.memory_space<semaphore_mem>>)
      %dma_start3A_206 = arith.constant 4 : i32
      %dma_start3A_207 = arith.constant 512 : i32
      %dma_start3A_208 = tpu.memref_slice %arg12[%dma_start3A_207] : memref<1024xf32, #tpu.memory_space<vmem>> -> memref<128xf32, #tpu.memory_space<vmem>>
      %dma_start3A_209 = arith.constant 0 : i32
      %dma_start3A_210 = tpu.memref_slice %arg8[%dma_start3A_206, %dma_start3A_209] : memref<8x128xi32, #tpu.memory_space<vmem>> -> memref<1x128xi32, #tpu.memory_space<vmem>>
      %dma_start3A_211 = tpu.memref_squeeze %dma_start3A_210 : memref<1x128xi32, #tpu.memory_space<vmem>> -> memref<128xi32, #tpu.memory_space<vmem>>
      %dma_start3A_212 = arith.constant 0 : i32
      %dma_start3A_213 = tpu.memref_slice %arg10[%dma_start3A_212] : memref<1000000xf32, #tpu.memory_space<vmem_shared>> -> memref<1000000xf32, #tpu.memory_space<vmem_shared>>
      tpu.enqueue_indirect_dma source(%dma_start3A_213 : memref<1000000xf32, #tpu.memory_space<vmem_shared>>) target(%dma_start3A_208 : memref<128xf32, #tpu.memory_space<vmem>>) offsets(%dma_start3A_211 : memref<128xi32, #tpu.memory_space<vmem>>) semaphore(%arg16 : memref<!tpu.dma_semaphore, #tpu.memory_space<semaphore_mem>>)
      %dma_start3A_214 = arith.constant 5 : i32
      %dma_start3A_215 = arith.constant 640 : i32
      %dma_start3A_216 = tpu.memref_slice %arg12[%dma_start3A_215] : memref<1024xf32, #tpu.memory_space<vmem>> -> memref<128xf32, #tpu.memory_space<vmem>>
      %dma_start3A_217 = arith.constant 0 : i32
      %dma_start3A_218 = tpu.memref_slice %arg8[%dma_start3A_214, %dma_start3A_217] : memref<8x128xi32, #tpu.memory_space<vmem>> -> memref<1x128xi32, #tpu.memory_space<vmem>>
      %dma_start3A_219 = tpu.memref_squeeze %dma_start3A_218 : memref<1x128xi32, #tpu.memory_space<vmem>> -> memref<128xi32, #tpu.memory_space<vmem>>
      %dma_start3A_220 = arith.constant 0 : i32
      %dma_start3A_221 = tpu.memref_slice %arg10[%dma_start3A_220] : memref<1000000xf32, #tpu.memory_space<vmem_shared>> -> memref<1000000xf32, #tpu.memory_space<vmem_shared>>
      tpu.enqueue_indirect_dma source(%dma_start3A_221 : memref<1000000xf32, #tpu.memory_space<vmem_shared>>) target(%dma_start3A_216 : memref<128xf32, #tpu.memory_space<vmem>>) offsets(%dma_start3A_219 : memref<128xi32, #tpu.memory_space<vmem>>) semaphore(%arg16 : memref<!tpu.dma_semaphore, #tpu.memory_space<semaphore_mem>>)
      %dma_start3A_222 = arith.constant 6 : i32
      %dma_start3A_223 = arith.constant 768 : i32
      %dma_start3A_224 = tpu.memref_slice %arg12[%dma_start3A_223] : memref<1024xf32, #tpu.memory_space<vmem>> -> memref<128xf32, #tpu.memory_space<vmem>>
      %dma_start3A_225 = arith.constant 0 : i32
      %dma_start3A_226 = tpu.memref_slice %arg8[%dma_start3A_222, %dma_start3A_225] : memref<8x128xi32, #tpu.memory_space<vmem>> -> memref<1x128xi32, #tpu.memory_space<vmem>>
      %dma_start3A_227 = tpu.memref_squeeze %dma_start3A_226 : memref<1x128xi32, #tpu.memory_space<vmem>> -> memref<128xi32, #tpu.memory_space<vmem>>
      %dma_start3A_228 = arith.constant 0 : i32
      %dma_start3A_229 = tpu.memref_slice %arg10[%dma_start3A_228] : memref<1000000xf32, #tpu.memory_space<vmem_shared>> -> memref<1000000xf32, #tpu.memory_space<vmem_shared>>
      tpu.enqueue_indirect_dma source(%dma_start3A_229 : memref<1000000xf32, #tpu.memory_space<vmem_shared>>) target(%dma_start3A_224 : memref<128xf32, #tpu.memory_space<vmem>>) offsets(%dma_start3A_227 : memref<128xi32, #tpu.memory_space<vmem>>) semaphore(%arg16 : memref<!tpu.dma_semaphore, #tpu.memory_space<semaphore_mem>>)
      %dma_start3A_230 = arith.constant 7 : i32
      %dma_start3A_231 = arith.constant 896 : i32
      %dma_start3A_232 = tpu.memref_slice %arg12[%dma_start3A_231] : memref<1024xf32, #tpu.memory_space<vmem>> -> memref<128xf32, #tpu.memory_space<vmem>>
      %dma_start3A_233 = arith.constant 0 : i32
      %dma_start3A_234 = tpu.memref_slice %arg8[%dma_start3A_230, %dma_start3A_233] : memref<8x128xi32, #tpu.memory_space<vmem>> -> memref<1x128xi32, #tpu.memory_space<vmem>>
      %dma_start3A_235 = tpu.memref_squeeze %dma_start3A_234 : memref<1x128xi32, #tpu.memory_space<vmem>> -> memref<128xi32, #tpu.memory_space<vmem>>
      %dma_start3A_236 = arith.constant 0 : i32
      %dma_start3A_237 = tpu.memref_slice %arg10[%dma_start3A_236] : memref<1000000xf32, #tpu.memory_space<vmem_shared>> -> memref<1000000xf32, #tpu.memory_space<vmem_shared>>
      tpu.enqueue_indirect_dma source(%dma_start3A_237 : memref<1000000xf32, #tpu.memory_space<vmem_shared>>) target(%dma_start3A_232 : memref<128xf32, #tpu.memory_space<vmem>>) offsets(%dma_start3A_235 : memref<128xi32, #tpu.memory_space<vmem>>) semaphore(%arg16 : memref<!tpu.dma_semaphore, #tpu.memory_space<semaphore_mem>>)
      %dma_wait3A_238 = arith.constant 0 : i32
      %dma_wait3A_239 = arith.constant 0 : i32
      %dma_wait3A_240 = tpu.memref_slice %arg12[%dma_wait3A_239] : memref<1024xf32, #tpu.memory_space<vmem>> -> memref<128xf32, #tpu.memory_space<vmem>>
      %dma_wait3A_241 = arith.constant 0 : i32
      %dma_wait3A_242 = tpu.memref_slice %arg8[%dma_wait3A_238, %dma_wait3A_241] : memref<8x128xi32, #tpu.memory_space<vmem>> -> memref<1x128xi32, #tpu.memory_space<vmem>>
      %dma_wait3A_243 = tpu.memref_squeeze %dma_wait3A_242 : memref<1x128xi32, #tpu.memory_space<vmem>> -> memref<128xi32, #tpu.memory_space<vmem>>
      %dma_wait3A_244 = arith.constant 0 : i32
      %dma_wait3A_245 = tpu.memref_slice %arg10[%dma_wait3A_244] : memref<1000000xf32, #tpu.memory_space<vmem_shared>> -> memref<1000000xf32, #tpu.memory_space<vmem_shared>>
      tpu.wait_indirect_dma semaphore(%arg16 : memref<!tpu.dma_semaphore, #tpu.memory_space<semaphore_mem>>) src(%dma_wait3A_245 : memref<1000000xf32, #tpu.memory_space<vmem_shared>>) dst(%dma_wait3A_240 : memref<128xf32, #tpu.memory_space<vmem>>)
      %dma_wait3A_246 = arith.constant 1 : i32
      %dma_wait3A_247 = arith.constant 128 : i32
      %dma_wait3A_248 = tpu.memref_slice %arg12[%dma_wait3A_247] : memref<1024xf32, #tpu.memory_space<vmem>> -> memref<128xf32, #tpu.memory_space<vmem>>
      %dma_wait3A_249 = arith.constant 0 : i32
      %dma_wait3A_250 = tpu.memref_slice %arg8[%dma_wait3A_246, %dma_wait3A_249] : memref<8x128xi32, #tpu.memory_space<vmem>> -> memref<1x128xi32, #tpu.memory_space<vmem>>
      %dma_wait3A_251 = tpu.memref_squeeze %dma_wait3A_250 : memref<1x128xi32, #tpu.memory_space<vmem>> -> memref<128xi32, #tpu.memory_space<vmem>>
      %dma_wait3A_252 = arith.constant 0 : i32
      %dma_wait3A_253 = tpu.memref_slice %arg10[%dma_wait3A_252] : memref<1000000xf32, #tpu.memory_space<vmem_shared>> -> memref<1000000xf32, #tpu.memory_space<vmem_shared>>
      tpu.wait_indirect_dma semaphore(%arg16 : memref<!tpu.dma_semaphore, #tpu.memory_space<semaphore_mem>>) src(%dma_wait3A_253 : memref<1000000xf32, #tpu.memory_space<vmem_shared>>) dst(%dma_wait3A_248 : memref<128xf32, #tpu.memory_space<vmem>>)
      %dma_wait3A_254 = arith.constant 2 : i32
      %dma_wait3A_255 = arith.constant 256 : i32
      %dma_wait3A_256 = tpu.memref_slice %arg12[%dma_wait3A_255] : memref<1024xf32, #tpu.memory_space<vmem>> -> memref<128xf32, #tpu.memory_space<vmem>>
      %dma_wait3A_257 = arith.constant 0 : i32
      %dma_wait3A_258 = tpu.memref_slice %arg8[%dma_wait3A_254, %dma_wait3A_257] : memref<8x128xi32, #tpu.memory_space<vmem>> -> memref<1x128xi32, #tpu.memory_space<vmem>>
      %dma_wait3A_259 = tpu.memref_squeeze %dma_wait3A_258 : memref<1x128xi32, #tpu.memory_space<vmem>> -> memref<128xi32, #tpu.memory_space<vmem>>
      %dma_wait3A_260 = arith.constant 0 : i32
      %dma_wait3A_261 = tpu.memref_slice %arg10[%dma_wait3A_260] : memref<1000000xf32, #tpu.memory_space<vmem_shared>> -> memref<1000000xf32, #tpu.memory_space<vmem_shared>>
      tpu.wait_indirect_dma semaphore(%arg16 : memref<!tpu.dma_semaphore, #tpu.memory_space<semaphore_mem>>) src(%dma_wait3A_261 : memref<1000000xf32, #tpu.memory_space<vmem_shared>>) dst(%dma_wait3A_256 : memref<128xf32, #tpu.memory_space<vmem>>)
      %dma_wait3A_262 = arith.constant 3 : i32
      %dma_wait3A_263 = arith.constant 384 : i32
      %dma_wait3A_264 = tpu.memref_slice %arg12[%dma_wait3A_263] : memref<1024xf32, #tpu.memory_space<vmem>> -> memref<128xf32, #tpu.memory_space<vmem>>
      %dma_wait3A_265 = arith.constant 0 : i32
      %dma_wait3A_266 = tpu.memref_slice %arg8[%dma_wait3A_262, %dma_wait3A_265] : memref<8x128xi32, #tpu.memory_space<vmem>> -> memref<1x128xi32, #tpu.memory_space<vmem>>
      %dma_wait3A_267 = tpu.memref_squeeze %dma_wait3A_266 : memref<1x128xi32, #tpu.memory_space<vmem>> -> memref<128xi32, #tpu.memory_space<vmem>>
      %dma_wait3A_268 = arith.constant 0 : i32
      %dma_wait3A_269 = tpu.memref_slice %arg10[%dma_wait3A_268] : memref<1000000xf32, #tpu.memory_space<vmem_shared>> -> memref<1000000xf32, #tpu.memory_space<vmem_shared>>
      tpu.wait_indirect_dma semaphore(%arg16 : memref<!tpu.dma_semaphore, #tpu.memory_space<semaphore_mem>>) src(%dma_wait3A_269 : memref<1000000xf32, #tpu.memory_space<vmem_shared>>) dst(%dma_wait3A_264 : memref<128xf32, #tpu.memory_space<vmem>>)
      %dma_wait3A_270 = arith.constant 4 : i32
      %dma_wait3A_271 = arith.constant 512 : i32
      %dma_wait3A_272 = tpu.memref_slice %arg12[%dma_wait3A_271] : memref<1024xf32, #tpu.memory_space<vmem>> -> memref<128xf32, #tpu.memory_space<vmem>>
      %dma_wait3A_273 = arith.constant 0 : i32
      %dma_wait3A_274 = tpu.memref_slice %arg8[%dma_wait3A_270, %dma_wait3A_273] : memref<8x128xi32, #tpu.memory_space<vmem>> -> memref<1x128xi32, #tpu.memory_space<vmem>>
      %dma_wait3A_275 = tpu.memref_squeeze %dma_wait3A_274 : memref<1x128xi32, #tpu.memory_space<vmem>> -> memref<128xi32, #tpu.memory_space<vmem>>
      %dma_wait3A_276 = arith.constant 0 : i32
      %dma_wait3A_277 = tpu.memref_slice %arg10[%dma_wait3A_276] : memref<1000000xf32, #tpu.memory_space<vmem_shared>> -> memref<1000000xf32, #tpu.memory_space<vmem_shared>>
      tpu.wait_indirect_dma semaphore(%arg16 : memref<!tpu.dma_semaphore, #tpu.memory_space<semaphore_mem>>) src(%dma_wait3A_277 : memref<1000000xf32, #tpu.memory_space<vmem_shared>>) dst(%dma_wait3A_272 : memref<128xf32, #tpu.memory_space<vmem>>)
      %dma_wait3A_278 = arith.constant 5 : i32
      %dma_wait3A_279 = arith.constant 640 : i32
      %dma_wait3A_280 = tpu.memref_slice %arg12[%dma_wait3A_279] : memref<1024xf32, #tpu.memory_space<vmem>> -> memref<128xf32, #tpu.memory_space<vmem>>
      %dma_wait3A_281 = arith.constant 0 : i32
      %dma_wait3A_282 = tpu.memref_slice %arg8[%dma_wait3A_278, %dma_wait3A_281] : memref<8x128xi32, #tpu.memory_space<vmem>> -> memref<1x128xi32, #tpu.memory_space<vmem>>
      %dma_wait3A_283 = tpu.memref_squeeze %dma_wait3A_282 : memref<1x128xi32, #tpu.memory_space<vmem>> -> memref<128xi32, #tpu.memory_space<vmem>>
      %dma_wait3A_284 = arith.constant 0 : i32
      %dma_wait3A_285 = tpu.memref_slice %arg10[%dma_wait3A_284] : memref<1000000xf32, #tpu.memory_space<vmem_shared>> -> memref<1000000xf32, #tpu.memory_space<vmem_shared>>
      tpu.wait_indirect_dma semaphore(%arg16 : memref<!tpu.dma_semaphore, #tpu.memory_space<semaphore_mem>>) src(%dma_wait3A_285 : memref<1000000xf32, #tpu.memory_space<vmem_shared>>) dst(%dma_wait3A_280 : memref<128xf32, #tpu.memory_space<vmem>>)
      %dma_wait3A_286 = arith.constant 6 : i32
      %dma_wait3A_287 = arith.constant 768 : i32
      %dma_wait3A_288 = tpu.memref_slice %arg12[%dma_wait3A_287] : memref<1024xf32, #tpu.memory_space<vmem>> -> memref<128xf32, #tpu.memory_space<vmem>>
      %dma_wait3A_289 = arith.constant 0 : i32
      %dma_wait3A_290 = tpu.memref_slice %arg8[%dma_wait3A_286, %dma_wait3A_289] : memref<8x128xi32, #tpu.memory_space<vmem>> -> memref<1x128xi32, #tpu.memory_space<vmem>>
      %dma_wait3A_291 = tpu.memref_squeeze %dma_wait3A_290 : memref<1x128xi32, #tpu.memory_space<vmem>> -> memref<128xi32, #tpu.memory_space<vmem>>
      %dma_wait3A_292 = arith.constant 0 : i32
      %dma_wait3A_293 = tpu.memref_slice %arg10[%dma_wait3A_292] : memref<1000000xf32, #tpu.memory_space<vmem_shared>> -> memref<1000000xf32, #tpu.memory_space<vmem_shared>>
      tpu.wait_indirect_dma semaphore(%arg16 : memref<!tpu.dma_semaphore, #tpu.memory_space<semaphore_mem>>) src(%dma_wait3A_293 : memref<1000000xf32, #tpu.memory_space<vmem_shared>>) dst(%dma_wait3A_288 : memref<128xf32, #tpu.memory_space<vmem>>)
      %dma_wait3A_294 = arith.constant 7 : i32
      %dma_wait3A_295 = arith.constant 896 : i32
      %dma_wait3A_296 = tpu.memref_slice %arg12[%dma_wait3A_295] : memref<1024xf32, #tpu.memory_space<vmem>> -> memref<128xf32, #tpu.memory_space<vmem>>
      %dma_wait3A_297 = arith.constant 0 : i32
      %dma_wait3A_298 = tpu.memref_slice %arg8[%dma_wait3A_294, %dma_wait3A_297] : memref<8x128xi32, #tpu.memory_space<vmem>> -> memref<1x128xi32, #tpu.memory_space<vmem>>
      %dma_wait3A_299 = tpu.memref_squeeze %dma_wait3A_298 : memref<1x128xi32, #tpu.memory_space<vmem>> -> memref<128xi32, #tpu.memory_space<vmem>>
      %dma_wait3A_300 = arith.constant 0 : i32
      %dma_wait3A_301 = tpu.memref_slice %arg10[%dma_wait3A_300] : memref<1000000xf32, #tpu.memory_space<vmem_shared>> -> memref<1000000xf32, #tpu.memory_space<vmem_shared>>
      tpu.wait_indirect_dma semaphore(%arg16 : memref<!tpu.dma_semaphore, #tpu.memory_space<semaphore_mem>>) src(%dma_wait3A_301 : memref<1000000xf32, #tpu.memory_space<vmem_shared>>) dst(%dma_wait3A_296 : memref<128xf32, #tpu.memory_space<vmem>>)
      %barrier3A_302 = arith.constant 0 : index
      tpu.barrier barrier_id(%barrier3A_302)
      %add3A_303 = arith.constant 1 : i32
      %add3A_304 = arith.addi %scan3A_27, %add3A_303 : i32
      %lt3A_305 = arith.constant 32 : i32
      %lt3A_306 = arith.cmpi slt, %add3A_304, %lt3A_305 : i32
      %convert_element_type3A_307 = arith.extui %lt3A_306 : i1 to i32
      %cond3A_308 = arith.constant 0 : i32
      %cond3A_309 = arith.cmpi ne, %convert_element_type3A_307, %cond3A_308 : i32
      scf.if %cond3A_309 {
        %add3A_316 = arith.constant 1 : i32
        %add3A_317 = arith.addi %add3A, %add3A_316 : i32
        %eq3A_318 = arith.constant 0 : i32
        %eq3A_319 = arith.cmpi eq, %arg1, %eq3A_318 : i32
        %convert_element_type3A_320 = arith.extui %eq3A_319 : i1 to i32
        %cond3A_321 = arith.constant 0 : i32
        %cond3A_322 = arith.cmpi ne, %convert_element_type3A_320, %cond3A_321 : i32
        scf.if %cond3A_322 {
          %dma_start3A_323 = arith.constant 0 : i32
          %dma_start3A_324 = tpu.memref_slice %arg5[%add3A_317, %dma_start3A_323] : memref<64x1000000xf32, #tpu.memory_space<hbm>> -> memref<1x1000000xf32, #tpu.memory_space<hbm>>
          %dma_start3A_325 = tpu.memref_squeeze %dma_start3A_324 : memref<1x1000000xf32, #tpu.memory_space<hbm>> -> memref<1000000xf32, #tpu.memory_space<hbm>>
          tpu.enqueue_dma source(%dma_start3A_325 : memref<1000000xf32, #tpu.memory_space<hbm>>) target(%arg10 : memref<1000000xf32, #tpu.memory_space<vmem_shared>>) target_semaphore(%arg15 : memref<!tpu.dma_semaphore, #tpu.memory_space<semaphore_mem>>)
        } else {
        }
      } else {
      }
      %scan3A_310 = arith.constant 0 : i32
      %scan3A_311 = arith.constant 0 : i32
      %scan3A_312 = arith.constant 64 : i32
      %scan3A_313 = arith.addi %scan3A_311, %scan3A_312 : i32
      %scan3A_314 = arith.constant 1 : i32
      scf.for %scan3A_316 = %scan3A_311 to %scan3A_313 step %scan3A_314  : i32 {
        %mul3A_317 = arith.constant 16 : i32
        %mul3A_318 = arith.muli %scan3A_316, %mul3A_317 : i32
        %get3A = arith.index_cast %mul3A_318 : i32 to index
        %get3A_319 = tpu.vector_load %arg13[%get3A] {strides = array<i32>} : memref<1024xf32, #tpu.memory_space<vmem>>, vector<16xf32>,
        %get3A_320 = arith.index_cast %mul3A_318 : i32 to index
        %get3A_321 = tpu.vector_load %arg11[%get3A_320] {strides = array<i32>} : memref<1024xf32, #tpu.memory_space<vmem>>, vector<16xf32>,
        %get3A_322 = arith.index_cast %mul3A_318 : i32 to index
        %get3A_323 = tpu.vector_load %arg12[%get3A_322] {strides = array<i32>} : memref<1024xf32, #tpu.memory_space<vmem>>, vector<16xf32>,
        %mul3A_324 = arith.mulf %get3A_321, %get3A_323 : vector<16xf32>
        %add3A_325 = arith.addf %get3A_319, %mul3A_324 : vector<16xf32>
        %swap3A = arith.index_cast %mul3A_318 : i32 to index
        %swap3A_326 = tpu.vector_load %arg13[%swap3A] {strides = array<i32>} : memref<1024xf32, #tpu.memory_space<vmem>>, vector<16xf32>,
        tpu.vector_store %arg13[%swap3A], %add3A_325 {strides = array<i32>} : memref<1024xf32, #tpu.memory_space<vmem>>, vector<16xf32>,
      }
      %scan3A_315 = arith.constant 64 : i32
    }
    %scan3A_24 = arith.constant 32 : i32
    %mul3A_25 = arith.constant 1024 : i32
    %mul3A_26 = arith.muli %arg1, %mul3A_25 : i32
    "tpu.region"() ({
      %run_scoped3A = tpu.sem_alloc : memref<!tpu.dma_semaphore, #tpu.memory_space<semaphore_mem>>
      %dma_start3A = tpu.memref_slice %arg6[%arg0, %mul3A_26] : memref<2x16384xf32, #tpu.memory_space<hbm>> -> memref<1x1024xf32, #tpu.memory_space<hbm>>
      %dma_start3A_27 = tpu.memref_squeeze %dma_start3A : memref<1x1024xf32, #tpu.memory_space<hbm>> -> memref<1024xf32, #tpu.memory_space<hbm>>
      %dma_start3A_28 = tpu.memref_slice %arg6[%arg0, %mul3A_26] : memref<2x16384xf32, #tpu.memory_space<hbm>> -> memref<1x1024xf32, #tpu.memory_space<hbm>>
      %dma_start3A_29 = tpu.memref_squeeze %dma_start3A_28 : memref<1x1024xf32, #tpu.memory_space<hbm>> -> memref<1024xf32, #tpu.memory_space<hbm>>
      tpu.enqueue_dma source(%arg13 : memref<1024xf32, #tpu.memory_space<vmem>>) target(%dma_start3A_29 : memref<1024xf32, #tpu.memory_space<hbm>>) target_semaphore(%run_scoped3A : memref<!tpu.dma_semaphore, #tpu.memory_space<semaphore_mem>>)
      %dma_wait3A = tpu.memref_slice %arg6[%arg0, %mul3A_26] : memref<2x16384xf32, #tpu.memory_space<hbm>> -> memref<1x1024xf32, #tpu.memory_space<hbm>>
      %dma_wait3A_30 = tpu.memref_squeeze %dma_wait3A : memref<1x1024xf32, #tpu.memory_space<hbm>> -> memref<1024xf32, #tpu.memory_space<hbm>>
      %dma_wait3A_31 = tpu.memref_slice %arg6[%arg0, %mul3A_26] : memref<2x16384xf32, #tpu.memory_space<hbm>> -> memref<1x1024xf32, #tpu.memory_space<hbm>>
      %dma_wait3A_32 = tpu.memref_squeeze %dma_wait3A_31 : memref<1x1024xf32, #tpu.memory_space<hbm>> -> memref<1024xf32, #tpu.memory_space<hbm>>
      tpu.wait_dma2 semaphore(%run_scoped3A : memref<!tpu.dma_semaphore, #tpu.memory_space<semaphore_mem>>) src(%arg13 : memref<1024xf32, #tpu.memory_space<vmem>>) dst(%dma_wait3A_32 : memref<1024xf32, #tpu.memory_space<hbm>>)
      tpu.yield
    }) : () -> ()
    return
  }
}

module attributes {stable_mosaic.version = 14 : i64} {
  func.func @_add_halves(%arg0: memref<2x16384xf32, #tpu.memory_space<vmem>>, %arg1: memref<16384xf32, #tpu.memory_space<vmem>>) attributes {dimension_semantics = [], scalar_prefetch = 0 : i64, scratch_operands = 0 : i64, tpu.core_type = #tpu.core_type<tc>} {
    %get3A = arith.constant 0 : index
    %get3A_0 = arith.constant 0 : index
    %get3A_1 = vector.load %arg0[%get3A, %get3A_0] : memref<2x16384xf32, #tpu.memory_space<vmem>>, vector<1x16384xf32>
    %get3A_2 = vector.shape_cast %get3A_1 : vector<1x16384xf32> to vector<16384xf32>
    %get3A_3 = arith.constant 1 : index
    %get3A_4 = arith.constant 0 : index
    %get3A_5 = vector.load %arg0[%get3A_3, %get3A_4] : memref<2x16384xf32, #tpu.memory_space<vmem>>, vector<1x16384xf32>
    %get3A_6 = vector.shape_cast %get3A_5 : vector<1x16384xf32> to vector<16384xf32>
    %add3A = arith.addf %get3A_2, %get3A_6 : vector<16384xf32>
    %swap3A = arith.constant 0 : index
    %swap3A_7 = vector.load %arg1[%swap3A] : memref<16384xf32, #tpu.memory_space<vmem>>, vector<16384xf32>
    tpu.vector_store %arg1[%swap3A], %add3A {strides = array<i32>} : memref<16384xf32, #tpu.memory_space<vmem>>, vector<16384xf32>,
    return
  }
}

</mosaic_0001>

<sc_bundles>
// kernel: kernel.4.cloned.1.call-start
scs
__scs_entry_jumppad:
0x0: {  	(pc) =	sbr.rel $0x88, $3  }
0x1: {  	(tag) =	ssettag $0x0;
	lr =	simm.s32 $0x1  }
0x2: {  	[smem:$0x3F9D] =	sst lr;
	_ =	strace $0xD0000000  }
0x3: {  	_ = 	snop  }
0x4: {  	_ = 	snop  }
0x5: {  	_ = 	snop  }
0x6: {  	_ = 	snop  }
0x7: {  	_ = 	snop  }
__scs_overlays_trampoline_lowered:
0x8: {  	[smem:$0x3FAC] =	sst s0  }
0x9: {  	[smem:$0x3FAD] =	sst s1  }
0xa: {  	[smem:$0x3FAE] =	sst s2  }
0xb: {  	[smem:$0x3FAF] =	sst s3  }
0xc: {  	[smem:$0x3FB0] =	sst s4  }
0xd: {  	[smem:$0x3FB1] =	sst s5  }
0xe: {  	[smem:$0x3FB2] =	sst s6  }
0xf: {  	[smem:$0x3FB3] =	sst s7  }
0x10: {  	[smem:$0x3FB4] =	sst s8  }
0x11: {  	[smem:$0x3FB5] =	sst s9;
	s0 =	simm.s32 @!p0 $0x0  }
0x12: {  	s1 =	sld [smem:$0x3F9B];
	s0 =	simm.s32 @p0 $0x1  }
0x13: {  	[smem:$0x3FB6] =	sst s0;
	s0 =	simm.s32 @!p1 $0x0  }
0x14: {  	s2 =	sld [smem:$0x3F9A];
	s0 =	simm.s32 @p1 $0x1  }
0x15: {  	[smem:$0x3FB7] =	sst s0;
	s0 =	simm.s32 @!p2 $0x0  }
0x16: {  	s3 =	sld [smem:$0x3FDB];
	s0 =	simm.s32 @p2 $0x1  }
0x17: {  	s4 =	simm.s32 $0x1BF5;
	[smem:$0x3FB9] =	sst s0  }
0x18: {  	s0 =	sld [smem:$0x3F9C];
	_ =	swait.ge [sflag:s4], $0x0  }
0x19: {  	s7 =	sld [smem:$0x3F9D]  }
0x1a: {  	s8 =	sadd.s32 $0xFFFFE003, lr  }
0x1b: {  	s9 =	sadd.s32 $0xFFFFFEF7, lr;
	s5 =	simm.s32 $0xFFFFFFFF;
	p2 =	slt.u32 s8, $0xFFFFF086  }
0x1c: {  	p1 =	slt.u32 s9, $0xF7A;
	s5 =	simm.s32 @!p2 $0x0  }
0x1d: {  	s5 =	simm.s32 @p1 $0x1;
	p0 =	seq.s32 s7, s2  }
0x1e: {  	s7 =	smul.u32 @!p0 $0xF7A, s2;
	p2 =	seq.s32 @!p0 s5, $0x0  }
0x1f: {  	s9 =	smul.u32 $0xF7A, s1;
	s8 =	simm.s32 @!p0 $0x1BF5;
	p2 =	por !p2, p0  }
0x20: {  	[sflag:s8] =	ssyncset.s32 @!p0 $0xFFFFF086;
	s6 =	sadd.s32 @!p0 s3, s7;
	s7 =	simm.s32 @!p0 $0x108  }
0x21: {  	s3 =	sadd.s32 s3, s9;
	s6 =	sadd.s32 @!p0 $0x88, s6;
	s7 =	simm.s32 @p2 $0x1082  }
0x22: {  	[simem:s7], [sflag:s8] =	dma.local @!p0 [hbm:s6], $0xF7A  }
0x23: {  	s9 =	sor.u32 $0xD0000000, s2;
	s6 =	simm.s32 $0x108;
	_ =	swait.ge @!p0 [sflag:s8], $0x0  }
0x24: {  	s3 =	sadd.s32 $0x88, s3;
	s6 =	simm.s32 @!p1 $0x1082;
	[sflag:s4] =	ssyncset.s32 $0xFFFFF086  }
0x25: {  	[simem:s6], [sflag:s4] =	dma.local [hbm:s3], $0xF7A  }
0x26: {  	[smem:$0x3F9D] =	sst s1;
	(tag) =	ssettag s2;
	_ =	strace s9  }
0x27: {  	s1 =	sld [smem:$0x3FAD]  }
0x28: {  	s2 =	sld [smem:$0x3FAE]  }
0x29: {  	s4 =	sld [smem:$0x3FB0]  }
0x2a: {  	p0 =	seq.s32 s5, $0x0;
	s5 =	sld [smem:$0x3FB1]  }
0x2b: {  	s6 =	sld [smem:$0x3FB2]  }
0x2c: {  	s7 =	sld [smem:$0x3FB3]  }
0x2d: {  	s3 =	simm.s32 $0x108;
	s8 =	sld [smem:$0x3FB4]  }
0x2e: {  	s3 =	simm.s32 @!p0 $0x1082;
	s9 =	sld [smem:$0x3FB5]  }
0x2f: {  	lr =	sadd.s32 s0, s3;
	s0 =	sld [smem:$0x3FAC]  }
0x30: {  	s3 =	sld [smem:$0x3FAF]  }
0x31: {  	[smem:$0x3FB8] =	sst s10  }
0x32: {  	s10 =	sld [smem:$0x3FB6];
	_ =	sdelay $0x3  }
0x33: {  	p0 =	seq.s32 s10, $0x1;
	s10 =	sld [smem:$0x3FB8];
	_ =	sdelay $0x3  }
0x34: {  	[smem:$0x3FB8] =	sst s10  }
0x35: {  	s10 =	sld [smem:$0x3FB7];
	_ =	sdelay $0x3  }
0x36: {  	p1 =	seq.s32 s10, $0x1;
	s10 =	sld [smem:$0x3FB8];
	_ =	sdelay $0x3  }
0x37: {  	[smem:$0x3FB8] =	sst s10  }
0x38: {  	s10 =	sld [smem:$0x3FB9]  }
0x39: {  	_ = 	snop;
	(pc) =	sbr.ind lr, $3  }
0x3a: {  	_ = 	snop  }
0x3b: {  	_ = 	snop  }
0x3c: {  	p2 =	seq.s32 s10, $0x1;
	s10 =	sld [smem:$0x3FB8]  }
0x3d: {  	_ =	shalt  }
0x3e: {  	_ =	shalt  }
0x3f: {  	_ =	shalt  }
0x40: {  	_ =	shalt  }
0x41: {  	_ =	shalt  }
0x42: {  	_ =	shalt  }
0x43: {  	_ =	shalt  }
0x44: {  	_ =	shalt  }
0x45: {  	_ =	shalt  }
0x46: {  	_ =	shalt  }
0x47: {  	_ =	shalt  }
0x48: {  	_ =	shalt  }
0x49: {  	_ =	shalt  }
0x4a: {  	_ =	shalt  }
0x4b: {  	_ =	shalt  }
0x4c: {  	_ =	shalt  }
0x4d: {  	_ =	shalt  }
0x4e: {  	_ =	shalt  }
0x4f: {  	_ =	shalt  }
0x50: {  	_ =	shalt  }
0x51: {  	_ =	shalt  }
0x52: {  	_ =	shalt  }
0x53: {  	_ =	shalt  }
0x54: {  	_ =	shalt  }
0x55: {  	_ =	shalt  }
0x56: {  	_ =	shalt  }
0x57: {  	_ =	shalt  }
0x58: {  	_ =	shalt  }
0x59: {  	_ =	shalt  }
0x5a: {  	_ =	shalt  }
0x5b: {  	_ =	shalt  }
0x5c: {  	_ =	shalt  }
0x5d: {  	_ =	shalt  }
0x5e: {  	_ =	shalt  }
0x5f: {  	_ =	shalt  }
0x60: {  	_ =	shalt  }
0x61: {  	_ =	shalt  }
0x62: {  	_ =	shalt  }
0x63: {  	_ =	shalt  }
0x64: {  	_ =	shalt  }
0x65: {  	_ =	shalt  }
0x66: {  	_ =	shalt  }
0x67: {  	_ =	shalt  }
0x68: {  	_ =	shalt  }
0x69: {  	_ =	shalt  }
0x6a: {  	_ =	shalt  }
0x6b: {  	_ =	shalt  }
0x6c: {  	_ =	shalt  }
0x6d: {  	_ =	shalt  }
0x6e: {  	_ =	shalt  }
0x6f: {  	_ =	shalt  }
0x70: {  	_ =	shalt  }
0x71: {  	_ =	shalt  }
0x72: {  	_ =	shalt  }
0x73: {  	_ =	shalt  }
0x74: {  	_ =	shalt  }
0x75: {  	_ =	shalt  }
0x76: {  	_ =	shalt  }
0x77: {  	_ =	shalt  }
0x78: {  	_ =	shalt  }
0x79: {  	_ =	shalt  }
0x7a: {  	_ =	shalt  }
0x7b: {  	_ =	shalt  }
0x7c: {  	_ =	shalt  }
0x7d: {  	_ =	shalt  }
0x7e: {  	_ =	shalt  }
0x7f: {  	_ =	shalt  }
0x80: {  	_ =	shalt  }
0x81: {  	_ =	shalt  }
0x82: {  	_ =	shalt  }
0x83: {  	_ =	shalt  }
0x84: {  	_ =	shalt  }
0x85: {  	_ =	shalt  }
0x86: {  	_ =	shalt  }
0x87: {  	_ =	shalt  }
.Lfunc_end0:
.L_simem_size_0:
called_computation_lowered:
.L_overlay_start_0:
0x88: {  	s2 =	sld [smem:$0x3FD9]  }
0x89: {  	s3 =	sld [smem:$0x3FFE];
	_ =	sdelay $0x1  }
0x8a: {  	s1 =	srdreg.scid  }
0x8b: {  	s0 =	sand.u32 $0x1, s1  }
0x8c: {  	s17 =	sshll.u32 s0, $0xA;
	s2 =	sadd.s32 s3, s2  }
0x8d: {  	s2 =	sadd.s32 s2, s17  }
0x8e: {  	[smem:$0x3FC4] =	sst s2  }
0x8f: {  	_ = 	snop  }
0x90: {  	s2 =	sld [smem:$0x3FC9]  }
0x91: {  	s18 =	sld [smem:$0x3FC8]  }
0x92: {  	s4 =	sld [smem:$0x3FC7]  }
0x93: {  	s5 =	sld [smem:$0x3FC6];
	(tm) =	ssettm $0x1  }
0x94: {  	s6 =	sld [smem:$0x3FFB];
	_ =	sdelay $0x3  }
0x95: {  	_ =	strace s6  }
0x96: {  	s6 =	sld [smem:$0x3FFC];
	_ =	sdelay $0x3  }
0x97: {  	_ =	strace s6  }
0x98: {  	s6 =	sld [smem:$0x3FFD];
	_ =	sdelay $0x3  }
0x99: {  	_ =	strace s6  }
0x9a: {  	_ =	strace $0x8FFFFFFF  }
0x9b: {  	s19 =	sld [smem:$0x3FDB];
	_ =	sdelay $0x1  }
0x9c: {  	s7 =	simm.s32 $_scs_section_size  }
0x9d: {  	s8 =	simm.s32 $_size__tile_overlayer_lowered;
	s9 =	simm.s32 $_tile_overlayer_lowered  }
0x9e: {  	s22 =	simm.s32 $0x1BFF;
	s21 =	sshll.u32 s9, $0x1;
	s6 =	sadd.s32 s7, s19  }
0x9f: {  	s10 =	simm.s32 $0x0;
	s20 =	sshll.u32 s8, $0x1;
	s8 =	sadd.s32 s21, s6  }
0xa0: {  	[timem:s10], [sflag:s22] =	dma.local [hbm:s8], s20  }
0xa1: {  	_ =	swait.ge [sflag:s22], s20  }
0xa2: {  	s7 =	ssub.s32 $0x0, s20;
	[sflag:s22] =	ssyncset.done $0x0  }
0xa3: {  	[sflag:s22] =	ssyncadd.s32 s7;
	_ =	sdelay $0x1  }
0xa4: {  	s23 =	simm.s32 $0x1B8B  }
0xa5: {  	_ =	swait.ge [sflag:s23], $0x1  }
0xa6: {  	[sflag:s23] =	ssyncset.done $0x0  }
0xa7: {  	s25 =	simm.s32 $0x1B8E;
	s24 =	sld [smem:$0x3FFE];
	[sflag:s23] =	ssyncadd.s32 $0xFFFFFFFF  }
0xa8: {  	s26 =	simm.s32 $execute0_lowered;
	[smem:$0x3FD2] =	sst s25  }
0xa9: {  	s8 =	sshll.u32 s26, $0x1;
	_ =	strace $0x80000046;
	[dreg:$0x1] =	wrdreg $0xFFFFFFFF  }
0xaa: {  	s28 =	simm.s32 $_size_execute0_lowered;
	s6 =	sadd.s32 s6, s8;
	[dreg:$0x0] =	wrdreg $0x0  }
0xab: {  	s8 =	sshll.u32 s28, $0x1;
	[dreg:$0x2] =	wrdreg s6  }
0xac: {  	[dreg:$0x3] =	wrdreg s8  }
0xad: {  	[dreg:$0x4] =	wrdreg $0xC0  }
0xae: {  	_ =	task [dreg:s10], $0x5FFFF  }
0xaf: {  	[dreg:$0x1] =	wrdreg $0xFFFFFFFF  }
0xb0: {  	[dreg:$0x0] =	wrdreg $0x60  }
0xb1: {  	[dreg:$0x2] =	wrdreg s2  }
0xb2: {  	[dreg:$0x3] =	wrdreg s18  }
0xb3: {  	[dreg:$0x4] =	wrdreg s4  }
0xb4: {  	[dreg:$0x5] =	wrdreg s5  }
0xb5: {  	[dreg:$0x6] =	wrdreg s24  }
0xb6: {  	[dreg:$0x7] =	wrdreg $0x8000  }
0xb7: {  	[dreg:$0x8] =	wrdreg $0xFC280  }
0xb8: {  	[dreg:$0x9] =	wrdreg $0x9  }
0xb9: {  	_ =	task.clear_ibuf [dreg:s10], $0xAFFFF;
	_ =	strace $0x90000046  }
0xba: {  	s29 =	simm.s32 $0x9;
	_ =	strace $0x80000048  }
0xbb: {  	_ =	swait.ge [sflag:s29], $0x1  }
0xbc: {  	[sflag:s29] =	ssyncadd.s32 $0xFFFFFFFF  }
0xbd: {  	_ =	strace $0x90000048  }
0xbe: {  	_ =	sfence  }
0xbf: {  	s30 =	sld [smem:$0x0];
	_ =	sdelay $0x2  }
0xc0: {  	s31 =	sshll.u32 s1, $0xD;
	s1 =	sshrl.u32 s1, $0x2  }
0xc1: {  	s3 =	sand.u32 $0x4000, s31;
	s1 =	sadd.s32 s1, s30  }
0xc2: {  	s0 =	sor.u32 s3, s0;
	s1 =	sshll.u32 s1, $0x11  }
0xc3: {  	s0 =	sor.u32 s1, s0  }
0xc4: {  	s0 =	sadd.s32 $0x8F2B, s0  }
0xc5: {  	[sflag:s0] =	ssyncadd.remote.s32 $0x1  }
0xc6: {  	_ =	sfence.sel $0xFFFF  }
0xc7: {  	[dreg:$0x0] =	wrdreg $0xFFFFFFFF;
	(pc) =	sbr.abs _section_cstart, $3  }
0xc8: {  	[dreg:$0x1] =	wrdreg $0xFFFFFFFF  }
0xc9: {  	_ =	task.clear_ibuf [dreg:s10], $0x2FFFF;
	_ =	strace $0x9FFFFFFF  }
0xca: {  	(tm) =	ssettm $0x7FFFFFFF  }
0xcb: {  	_ =	shalt  }
tec
execute0_lowered:
.L_overlay_start_1:
0x0: {  	(tag) =	ssettag $0x1  }
0x1: {  	s0 =	rddreg [dreg:$0x0]  }
0x2: {  	s1 =	rddreg [dreg:$0x1]  }
0x3: {  	s10 =	rddreg [dreg:$0x2]  }
0x4: {  	s11 =	rddreg [dreg:$0x3]  }
0x5: {  	s2 =	rddreg [dreg:$0x4]  }
0x6: {  	s3 =	rddreg [dreg:$0x5]  }
0x7: {  	s4 =	rddreg [dreg:$0x6];
	s6 =	simm.s32 $0x0  }
0x8: {  	s5 =	srdreg.scid;
	s23 =	stileid.u32;
	s17 =	simm.s32 $0x80  }
0x9: {  	s12 =	simm.s32 $0x1F550;
	s15 =	simm.s32 $0x580;
	s16 =	simm.s32 $0x1F5D0  }
0xa: {  	s13 =	simm.s32 $0x1F650;
	s18 =	simm.s32 $0x700;
	s19 =	simm.s32 $0x1F750  }
0xb: {  	s21 =	simm.s32 $0x780;
	s14 =	simm.s32 $0x1F7D0;
	s31 =	simm.s32 $0x0  }
0xc: {  	[smem:$0x7FF] =	sst s6;
	s5 =	sand.u32 $0x1, s5;
	s24 =	sshll.u32 s23, $0x7  }
0xd: {  	s26 =	sshll.u32 s23, $0x8;
	p0 =	sne.s32 s23, $0x0;
	s6 =	simm.s32 $0x3  }
0xe: {  	s23 =	simm.s32 $0x0;
	_ =	strace $0x80000047;
	s22 =	sshll.u32 s5, $0x4  }
0xf: {  	s7 =	ssub.s32 $0x2, s5;
	s9 =	smul.u32 $0x3D0A00, s5;
	s0 =	sadd.s32 s0, s24  }
0x10: {  	s25 =	sadd.s32 s1, s24;
	s24 =	simm.s32 $0x4;
	s1 =	simm.s32 $0x600  }
0x11: {  	s2 =	sadd.s32 s22, s2;
	s8 =	sshrl.u32 s7, $0x1;
	[dreg:$0x8] =	wrdreg s0  }
0x12: {  	[dreg:$0x9] =	wrdreg s25;
	s22 =	simm.s32 $0x2;
	s7 =	ssub.s32 s7, s8  }
0x13: {  	s8 =	sshll.u32 s5, $0x5;
	s28 =	sadd.s32 s10, s9;
	s0 =	sadd.s32 s26, s2  }
0x14: {  	s29 =	sadd.s32 s11, s9;
	s9 =	simm.s32 $0x480;
	[dreg:$0xa] =	wrdreg s28  }
0x15: {  	s10 =	simm.s32 $0x1F4D0;
	[dreg:$0xb] =	wrdreg s29;
	s0 =	sadd.s32 $0x600, s0  }
0x16: {  	s11 =	simm.s32 $0x500;
	s30 =	smax.u32 s7, $0x1;
	[dreg:$0xc] =	wrdreg s0  }
0x17: {  	s2 =	simm.s32 $0x680;
	[dreg:$0xd] =	wrdreg s30;
	s0 =	sshrl.u32 @!p0 s3, $0x3  }
0x18: {  	s5 =	simm.s32 $0x1F6D0;
	[dreg:$0xe] =	wrdreg s0;
	s0 =	sshrl.u32 @!p0 s4, $0x3  }
0x19: {  	v0 =	vimm.f32 $0.0e+00;
	s7 =	simm.s32 $0x1F450;
	[dreg:$0xf] =	wrdreg s0;
	s0 =	simm.s32 $0x1F3D0  }
.LBB2_1:
0x1a: {  	[dreg:$0x10] =	wrdreg s23  }
0x1b: {  	s20 =	simm.s32 $0x0;
	s29 =	rddreg [dreg:$0x8]  }
0x1c: {  	[tilespmem:s20], [sflag:$0x4] =	stream.linear.gather [hbm4b:s29+s20], $0x400, $0x38;
	[tilespmem:$0x1FC50] =	vst v63  }
0x1d: {  	_ =	swait.ge [sflag:s24], $0x400  }
0x1e: {  	[sflag:s24] =	ssyncset.done $0x0  }
0x1f: {  	s25 =	simm.s32 $0x400;
	s30 =	rddreg [dreg:$0x9];
	[sflag:s24] =	ssyncadd.s32 $0xFFFFFC00  }
0x20: {  	[tilespmem:s25], [sflag:$0x4] =	stream.linear.gather [hbm4b:s30+s20], $0x400, $0x38;
	[tilespmem:$0x1FC50] =	vst v63  }
0x21: {  	_ =	swait.ge [sflag:s24], $0x400  }
0x22: {  	[sflag:s24] =	ssyncset.done $0x0  }
0x23: {  	s23 =	simm.s32 $0x40;
	[sflag:s24] =	ssyncadd.s32 $0xFFFFFC00;
	s24 =	simm.s32 $0x0  }
.LBB2_2:
0x24: {  	p1 =	sne.s32 s23, $0xFC0;
	[tilespmem:s24+$0x1F850] =	vst v0;
	s24 =	smov.u32 s23;
	s23 =	sadd.s32 $0x40, s23  }
.Ltmp0:
0x25: {  	(pc) =	sbr.rel @p1 .LBB2_2-.Ltmp0, $2  }
0x26: {  	_ =	sdelay $0x2  }
0x27: {  	s24 =	sshra.s32 s24, $0x2  }
0x28: {  	s23 =	simm.s32 @!p0 $0x1;
	[tilespmem:s24+$0x1F850] =	vst v0;
	s24 =	simm.s32 @!p0 $0x10;
	s20 =	rddreg [dreg:$0xa]  }
0x29: {  	s25 =	simm.s32 @!p0 $0x80;
	s26 =	simm.s32 @!p0 $0x1C01;
	s28 =	rddreg [dreg:$0xe]  }
0x2a: {  	[spmem:s28@s24], [sflag:s26] =	dma.strided @!p0 [hbm:s20@s25], $0x1E850, s23, $0x10   }
0x2b: {  	s20 =	rddreg [dreg:$0xb]  }
0x2c: {  	s26 =	simm.s32 @!p0 $0x1C02;
	s28 =	rddreg [dreg:$0xf]  }
0x2d: {  	[spmem:s28@s24], [sflag:s26] =	dma.strided @!p0 [hbm:s20@s25], $0x1E850, s23, $0x10   }
0x2e: {  	s24 =	simm.s32 $0x0  }
.LBB2_5:
0x2f: {  	_ =	swait.ge @!p0 [sflag:s23], $0x1E850  }
0x30: {  	[sflag:s23] =	ssyncset.done @!p0 $0x0  }
0x31: {  	[sflag:s23] =	ssyncadd.s32 @!p0 $0xFFFE17B0  }
0x32: {  	s20 =	simm.s32 $0x1F050;
	[bflag:$0x0] =	sbarrier.arrive $0xFFFF  }
0x33: {  	[tilespmem:s20], [sflag:$0x3] =	stream.indirect.gather [spmem:s3], $0x1, s31, s17, $0xb8;
	[tilespmem:$0x1FC50] =	vst v63  }
0x34: {  	s29 =	simm.s32 $0x1F0D0  }
0x35: {  	[tilespmem:s29], [sflag:$0x3] =	stream.indirect.gather [spmem:s3], $0x1, s17, s17, $0xb8;
	[tilespmem:$0x1FC50] =	vst v63  }
0x36: {  	s30 =	simm.s32 $0x100;
	s25 =	simm.s32 $0x1F150  }
0x37: {  	[tilespmem:s25], [sflag:$0x3] =	stream.indirect.gather [spmem:s3], $0x1, s30, s17, $0xb8;
	[tilespmem:$0x1FC50] =	vst v63  }
0x38: {  	s26 =	simm.s32 $0x180;
	s28 =	simm.s32 $0x1F1D0  }
0x39: {  	[tilespmem:s28], [sflag:$0x3] =	stream.indirect.gather [spmem:s3], $0x1, s26, s17, $0xb8;
	[tilespmem:$0x1FC50] =	vst v63  }
0x3a: {  	s29 =	simm.s32 $0x200;
	s30 =	simm.s32 $0x1F250  }
0x3b: {  	[tilespmem:s30], [sflag:$0x3] =	stream.indirect.gather [spmem:s3], $0x1, s29, s17, $0xb8;
	[tilespmem:$0x1FC50] =	vst v63  }
0x3c: {  	s25 =	simm.s32 $0x280;
	s26 =	simm.s32 $0x1F2D0  }
0x3d: {  	[tilespmem:s26], [sflag:$0x3] =	stream.indirect.gather [spmem:s3], $0x1, s25, s17, $0xb8;
	[tilespmem:$0x1FC50] =	vst v63  }
0x3e: {  	s28 =	simm.s32 $0x300;
	s29 =	simm.s32 $0x1F350  }
0x3f: {  	[tilespmem:s29], [sflag:$0x3] =	stream.indirect.gather [spmem:s3], $0x1, s28, s17, $0xb8;
	[tilespmem:$0x1FC50] =	vst v63  }
0x40: {  	s30 =	simm.s32 $0x380  }
0x41: {  	[tilespmem:s0], [sflag:$0x3] =	stream.indirect.gather [spmem:s3], $0x1, s30, s17, $0xb8;
	[tilespmem:$0x1FC50] =	vst v63  }
0x42: {  	_ =	swait.ge [sflag:s6], $0x80  }
0x43: {  	[sflag:s6] =	ssyncset.done $0x0  }
0x44: {  	[sflag:s6] =	ssyncadd.s32 $0xFFFFFF80  }
0x45: {  	_ =	swait.ge [sflag:s6], $0x80  }
0x46: {  	[sflag:s6] =	ssyncset.done $0x0  }
0x47: {  	[sflag:s6] =	ssyncadd.s32 $0xFFFFFF80  }
0x48: {  	_ =	swait.ge [sflag:s6], $0x80  }
0x49: {  	[sflag:s6] =	ssyncset.done $0x0  }
0x4a: {  	[sflag:s6] =	ssyncadd.s32 $0xFFFFFF80  }
0x4b: {  	_ =	swait.ge [sflag:s6], $0x80  }
0x4c: {  	[sflag:s6] =	ssyncset.done $0x0  }
0x4d: {  	[sflag:s6] =	ssyncadd.s32 $0xFFFFFF80  }
0x4e: {  	_ =	swait.ge [sflag:s6], $0x80  }
0x4f: {  	[sflag:s6] =	ssyncset.done $0x0  }
0x50: {  	[sflag:s6] =	ssyncadd.s32 $0xFFFFFF80  }
0x51: {  	_ =	swait.ge [sflag:s6], $0x80  }
0x52: {  	[sflag:s6] =	ssyncset.done $0x0  }
0x53: {  	[sflag:s6] =	ssyncadd.s32 $0xFFFFFF80  }
0x54: {  	_ =	swait.ge [sflag:s6], $0x80  }
0x55: {  	[sflag:s6] =	ssyncset.done $0x0  }
0x56: {  	p1 =	seq.s32 s24, $0x1F;
	[sflag:s6] =	ssyncadd.s32 $0xFFFFFF80  }
.Ltmp1:
0x57: {  	_ =	swait.ge [sflag:s6], $0x80;
	(pc) =	sbr.rel @!p1 .LBB2_6-.Ltmp1, $4  }
0x58: {  	[sflag:s6] =	ssyncset.done $0x0  }
0x59: {  	[sflag:s6] =	ssyncadd.s32 $0xFFFFFF80  }
0x5a: {  	[bflag:$0x0] =	sbarrier.arrive $0xFFFF  }
0x5b: {  	s25 =	sadd.s32 s8, s24  }
.Ltmp2:
0x5c: {  	(pc) =	sbr.rel @p0 .LBB2_10-.Ltmp2, $4  }
.Ltmp3:
0x5d: {  	(pc) =	sbr.rel @!p0 .LBB2_9-.Ltmp3, $4  }
0x5e: {  	_ = 	snop  }
0x5f: {  	_ = 	snop  }
0x60: {  	_ = 	snop  }
0x61: {  	_ = 	snop  }
.LBB2_6:
.Ltmp4:
0x62: {  	(pc) =	sbr.rel @p0 .LBB2_10-.Ltmp4, $1  }
0x63: {  	_ =	sdelay $0x3  }
0x64: {  	s26 =	sadd.s32 $0x1, s25  }
0x65: {  	s28 =	sshrl.u32 s26, $0x3  }
0x66: {  	s26 =	sshll.u32 s26, $0x7;
	s28 =	smul.u32 $0x7A1400, s28  }
0x67: {  	s26 =	sand.u32 $0x380, s26  }
0x68: {  	s20 =	rddreg [dreg:$0x2];
	s26 =	sor.u32 s26, s28  }
0x69: {  	s29 =	simm.s32 $0x10;
	s30 =	simm.s32 $0x1C01;
	s26 =	sshrl.u32 s26, $0x3  }
0x6a: {  	s28 =	sshrl.u32 s3, $0x3;
	s26 =	sadd.s32 s20, s26;
	s20 =	simm.s32 $0x1  }
0x6b: {  	[spmem:s28@s29], [sflag:s30] =	dma.strided [hbm:s26@s17], $0x1E850, s20, $0x10   }
.LBB2_9:
0x6c: {  	_ =	swait.ge [sflag:s22], $0x1E850  }
0x6d: {  	[sflag:s22] =	ssyncset.done $0x0  }
0x6e: {  	[sflag:s22] =	ssyncadd.s32 $0xFFFE17B0  }
.LBB2_10:
0x6f: {  	[bflag:$0x0] =	sbarrier.arrive $0xFFFF;
	s20 =	simm.s32 $0x400  }
0x70: {  	[tilespmem:s7], [sflag:$0x3] =	stream.indirect.gather [spmem:s4], $0x1, s20, s17, $0xb8;
	[tilespmem:$0x1FC50] =	vst v63  }
0x71: {  	_ = 	snop  }
0x72: {  	[tilespmem:s10], [sflag:$0x3] =	stream.indirect.gather [spmem:s4], $0x1, s9, s17, $0xb8;
	[tilespmem:$0x1FC50] =	vst v63  }
0x73: {  	_ = 	snop  }
0x74: {  	[tilespmem:s12], [sflag:$0x3] =	stream.indirect.gather [spmem:s4], $0x1, s11, s17, $0xb8;
	[tilespmem:$0x1FC50] =	vst v63  }
0x75: {  	_ = 	snop  }
0x76: {  	[tilespmem:s16], [sflag:$0x3] =	stream.indirect.gather [spmem:s4], $0x1, s15, s17, $0xb8;
	[tilespmem:$0x1FC50] =	vst v63  }
0x77: {  	_ = 	snop  }
0x78: {  	[tilespmem:s13], [sflag:$0x3] =	stream.indirect.gather [spmem:s4], $0x1, s1, s17, $0xb8;
	[tilespmem:$0x1FC50] =	vst v63  }
0x79: {  	_ = 	snop  }
0x7a: {  	[tilespmem:s5], [sflag:$0x3] =	stream.indirect.gather [spmem:s4], $0x1, s2, s17, $0xb8;
	[tilespmem:$0x1FC50] =	vst v63  }
0x7b: {  	_ = 	snop  }
0x7c: {  	[tilespmem:s19], [sflag:$0x3] =	stream.indirect.gather [spmem:s4], $0x1, s18, s17, $0xb8;
	[tilespmem:$0x1FC50] =	vst v63  }
0x7d: {  	_ = 	snop  }
0x7e: {  	[tilespmem:s14], [sflag:$0x3] =	stream.indirect.gather [spmem:s4], $0x1, s21, s17, $0xb8;
	[tilespmem:$0x1FC50] =	vst v63  }
0x7f: {  	_ =	swait.ge [sflag:s6], $0x80  }
0x80: {  	[sflag:s6] =	ssyncset.done $0x0  }
0x81: {  	[sflag:s6] =	ssyncadd.s32 $0xFFFFFF80  }
0x82: {  	_ =	swait.ge [sflag:s6], $0x80  }
0x83: {  	[sflag:s6] =	ssyncset.done $0x0  }
0x84: {  	[sflag:s6] =	ssyncadd.s32 $0xFFFFFF80  }
0x85: {  	_ =	swait.ge [sflag:s6], $0x80  }
0x86: {  	[sflag:s6] =	ssyncset.done $0x0  }
0x87: {  	[sflag:s6] =	ssyncadd.s32 $0xFFFFFF80  }
0x88: {  	_ =	swait.ge [sflag:s6], $0x80  }
0x89: {  	[sflag:s6] =	ssyncset.done $0x0  }
0x8a: {  	[sflag:s6] =	ssyncadd.s32 $0xFFFFFF80  }
0x8b: {  	_ =	swait.ge [sflag:s6], $0x80  }
0x8c: {  	[sflag:s6] =	ssyncset.done $0x0  }
0x8d: {  	[sflag:s6] =	ssyncadd.s32 $0xFFFFFF80  }
0x8e: {  	_ =	swait.ge [sflag:s6], $0x80  }
0x8f: {  	[sflag:s6] =	ssyncset.done $0x0  }
0x90: {  	[sflag:s6] =	ssyncadd.s32 $0xFFFFFF80  }
0x91: {  	p1 =	seq.s32 @!p0 s24, $0x1F;
	_ =	swait.ge [sflag:s6], $0x80  }
0x92: {  	p1 =	por p1, p0;
	[sflag:s6] =	ssyncset.done $0x0  }
0x93: {  	s25 =	sadd.s32 @!p1 $0x1, s25;
	[sflag:s6] =	ssyncadd.s32 $0xFFFFFF80  }
0x94: {  	s26 =	sshrl.u32 @!p1 s25, $0x3;
	_ =	swait.ge [sflag:s6], $0x80  }
0x95: {  	s25 =	sshll.u32 @!p1 s25, $0x7;
	s26 =	smul.u32 @!p1 $0x7A1400, s26;
	[sflag:s6] =	ssyncset.done $0x0  }
0x96: {  	s28 =	simm.s32 @!p1 $0x1;
	s25 =	sand.u32 @!p1 $0x380, s25;
	[sflag:s6] =	ssyncadd.s32 $0xFFFFFF80  }
0x97: {  	s29 =	simm.s32 @!p1 $0x80;
	s25 =	sor.u32 @!p1 s25, s26;
	[bflag:$0x0] =	sbarrier.arrive $0xFFFF  }
0x98: {  	s30 =	simm.s32 @!p1 $0x1C02;
	s25 =	sshrl.u32 @!p1 s25, $0x3;
	s20 =	rddreg [dreg:$0x3]  }
0x99: {  	s26 =	sshrl.u32 @!p1 s4, $0x3;
	s25 =	sadd.s32 @!p1 s20, s25;
	s20 =	simm.s32 @!p1 $0x10  }
0x9a: {  	[spmem:s26@s20], [sflag:s30] =	dma.strided @!p1 [hbm:s25@s29], $0x1E850, s28, $0x10   }
0x9b: {  	s25 =	simm.s32 $0x0  }
0x9c: {  	v1 =	vld [tilespmem:s25+$0x1F050]  }
0x9d: {  	v2 =	vld [tilespmem:s25+$0x1F450];
	_ =	sdelay $0x1  }
0x9e: {  	v3 =	vld [tilespmem:s25+$0x1F850];
	_ =	sdelay $0x2  }
0x9f: {  	v2 =	vmul.f32 v2, v1  }
0xa0: {  	s26 =	simm.s32 $0x10  }
0xa1: {  	s24 =	sadd.s32 $0x1, s24;
	s28 =	simm.s32 $0x80;
	v1 =	vld [tilespmem:s26+$0x1F050];
	v2 =	vadd.f32 v2, v3  }
.LBB2_11:
0xa2: {  	p1 =	seq.s32 s28, $0xFC0;
	v3 =	vld [tilespmem:s26+$0x1F450]  }
0xa3: {  	[tilespmem:s25+$0x1F850] =	vst v2;
	s25 =	smov.u32 s26  }
0xa4: {  	v2 =	vld [tilespmem:s25+$0x1F850]  }
.Ltmp5:
0xa5: {  	(pc) =	sbr.rel @!p1 .LBB2_11-.Ltmp5, $4  }
0xa6: {  	_ = 	snop  }
0xa7: {  	v3 =	vmul.f32 v3, v1  }
0xa8: {  	s26 =	sshra.s32 s28, $0x2  }
0xa9: {  	s28 =	sadd.s32 $0x40, s28;
	v1 =	vld [tilespmem:s26+$0x1F050];
	v2 =	vadd.f32 v3, v2  }
0xaa: {  	v3 =	vld [tilespmem:s26+$0x1F450]  }
0xab: {  	[tilespmem:s25+$0x1F850] =	vst v2  }
0xac: {  	v2 =	vld [tilespmem:s26+$0x1F850];
	_ =	sdelay $0x2  }
0xad: {  	v1 =	vmul.f32 v3, v1;
	_ =	sdelay $0x1  }
0xae: {  	v1 =	vadd.f32 v1, v2;
	_ =	sdelay $0x1  }
0xaf: {  	[tilespmem:s26+$0x1F850] =	vst v1  }
0xb0: {  	p1 =	seq.s32 s24, $0x20  }
.Ltmp6:
0xb1: {  	_ = 	snop;
	(pc) =	sbr.rel @!p1 .LBB2_5-.Ltmp6, $1  }
0xb2: {  	_ =	sdelay $0x3  }
0xb3: {  	s20 =	rddreg [dreg:$0xc];
	s23 =	simm.s32 $0x100;
	s24 =	simm.s32 $0x1F850  }
0xb4: {  	[hbm4b:s20+s17] =	stream.strided.scatter [tilespmem:s24], [sflag:$0x4], $0x400, s23, s17, $0x38;
	[tilespmem:$0x1FC50] =	vst v63  }
0xb5: {  	s24 =	simm.s32 $0x4  }
0xb6: {  	_ =	swait.ge [sflag:s24], $0x400  }
0xb7: {  	s29 =	rddreg [dreg:$0x10]  }
0xb8: {  	s30 =	rddreg [dreg:$0xd];
	s23 =	sadd.s32 $0x1, s29  }
0xb9: {  	p1 =	sne.s32 s23, s30  }
.Ltmp7:
0xba: {  	_ = 	snop;
	(pc) =	sbr.rel @p1 .LBB2_1-.Ltmp7, $3  }
0xbb: {  	_ =	sdelay $0x1  }
0xbc: {  	[sflag:s24] =	ssyncset.done $0x0  }
0xbd: {  	[sflag:s24] =	ssyncadd.s32 $0xFFFFFC00  }
0xbe: {  	_ =	sfence.sel $0x180000  }
0xbf: {  	[bflag:$0x0] =	sbarrier.arrive $0xFFFF  }
0xc0: {  	_ =	strace $0x90000047  }
0xc1: {  	[bflag:$0x2] =	sbarrier.arrive $0xFFFF  }
0xc2: {  	s0 =	rddreg [dreg:$0x7]  }
0xc3: {  	s0 =	sadd.s32 @!p0 $0x100000, s0  }
0xc4: {  	[sflag:s0] =	ssyncadd.tile.s32 @!p0 $0x1;
	_ =	shalt  }
.Lfunc_end2:
_tile_overlayer_lowered:
.L_overlay_start_2:
0xc5: {  	(tag) =	ssettag $0x2  }
0xc6: {  	s0 =	rddreg [dreg:$0x0];
	s2 =	stileid.u32  }
0xc7: {  	s1 =	rddreg [dreg:$0x1];
	p0 =	sne.s32 s2, $0x0  }
0xc8: {  	s3 =	rddreg [dreg:$0x2];
	[bflag:$0x3] =	sbarrier.arrive $0xFFFF;
	s2 =	simm.s32 @!p0 $0x1C04  }
0xc9: {  	[timem:s3], [sflag:s2] =	dma.local @!p0 [hbm:s0], s1  }
0xca: {  	s0 =	simm.s32 @!p0 $0x4  }
0xcb: {  	_ =	swait.ge @!p0 [sflag:s0], s1  }
0xcc: {  	s1 =	ssub.s32 @!p0 $0x0, s1;
	[sflag:s0] =	ssyncset.done @!p0 $0x0  }
0xcd: {  	[sflag:s0] =	ssyncadd.s32 @!p0 s1  }
0xce: {  	[bflag:$0x3] =	sbarrier.arrive $0xFFFF  }
0xcf: {  	_ =	shalt  }

</sc_bundles>
